<compile_context>
chip_gen: v7x
topology: tpu7x:2x2x1
jax: 0.10.2.dev20260603
libtpu: 0.0.44.dev20260713+nightly
codegen_flags: <defaults>
</compile_context>

<pallas_src>
import functools
import jax
import jax.numpy as jnp
from jax import lax
from jax.experimental import pallas as pl
from jax.experimental.pallas import tpu as pltpu
from jax.experimental.pallas import tpu_sc as plsc

BATCH = 16384
EMB = 64
NC, NS = 2, 16
NW = NC * NS
B_PER_W = BATCH // NW
CH = 128
NCH = B_PER_W // CH
IDROWS = BATCH // CH

_sc_mesh = plsc.VectorSubcoreMesh(core_axis_name="c", subcore_axis_name="s")


@functools.partial(
    pl.kernel,
    out_type=jax.ShapeDtypeStruct((BATCH, 2 * EMB), jnp.float32),
    mesh=_sc_mesh,
    compiler_params=pltpu.CompilerParams(use_tc_tiling_on_sc=True),
    scratch_types=[
        pltpu.VMEM((NCH, CH), jnp.int32),
        pltpu.VMEM((CH, 2 * EMB), jnp.float32),
        pltpu.VMEM((CH, 2 * EMB), jnp.float32),
        pltpu.SemaphoreType.DMA,
        pltpu.SemaphoreType.DMA,
    ],
)
def _sc_gather(id_hbm, tab_hbm, out, idx, b0, b1, semg, semw):
    wid = lax.axis_index("s") * NC + lax.axis_index("c")
    base = wid * B_PER_W
    pltpu.sync_copy(id_hbm.at[pl.ds(wid * NCH, NCH)], idx)

    bufs = (b0, b1)
    gath = []
    writes = [None] * NCH
    for k in range(NCH):
        if k >= 2:
            writes[k - 2].wait()
        gath.append(pltpu.async_copy(tab_hbm.at[idx.at[k]], bufs[k % 2], semg))
        if k >= 1:
            gath[k - 1].wait()
            orows = pl.ds(base + (k - 1) * CH, CH)
            writes[k - 1] = pltpu.async_copy(
                bufs[(k - 1) % 2], out.at[orows], semw)
    gath[NCH - 1].wait()
    orows = pl.ds(base + (NCH - 1) * CH, CH)
    writes[NCH - 1] = pltpu.async_copy(bufs[(NCH - 1) % 2], out.at[orows], semw)
    writes[NCH - 2].wait()
    writes[NCH - 1].wait()


N_ROWS = 100000
RC = 1000


def _concat_body(gu, mu, gi, mi, outu, outi):
    outu[:, :EMB] = gu[:].T
    outu[:, EMB:] = mu[:].T
    outi[:, :EMB] = gi[:].T
    outi[:, EMB:] = mi[:].T


_tc_concat = pl.pallas_call(
    _concat_body,
    grid=(N_ROWS // RC,),
    in_specs=[pl.BlockSpec((EMB, RC), lambda i: (0, i))] * 4,
    out_specs=[pl.BlockSpec((RC, 2 * EMB), lambda i: (i, 0))] * 2,
    out_shape=[jax.ShapeDtypeStruct((N_ROWS, 2 * EMB), jnp.float32)] * 2,
)


BB = 4096


def _tc_mlp_body(u, it, w1a, w1b, b1, w2, b2, w3, b3, wog, woh, bo, out):
    f32 = jnp.float32
    uu = u[:]
    ii = it[:]
    g = uu[:, :EMB] * ii[:, :EMB]
    acc = jnp.dot(g, wog[:], preferred_element_type=f32)
    h = jnp.dot(uu[:, EMB:], w1a[:], preferred_element_type=f32)
    h = h + jnp.dot(ii[:, EMB:], w1b[:], preferred_element_type=f32)
    h = jnp.maximum(h + b1[:], 0.0)
    h = jnp.maximum(jnp.dot(h, w2[:], preferred_element_type=f32) + b2[:], 0.0)
    h = jnp.maximum(jnp.dot(h, w3[:], preferred_element_type=f32) + b3[:], 0.0)
    out[:] = acc + jnp.dot(h, woh[:], preferred_element_type=f32) + bo[0, 0]


def _row_spec():
    return pl.BlockSpec((BB, 2 * EMB), lambda i: (i, 0))


def _full_spec(shape):
    return pl.BlockSpec(shape, lambda i: tuple(0 for _ in shape))


_tc_mlp = pl.pallas_call(
    _tc_mlp_body,
    grid=(BATCH // BB,),
    in_specs=[
        _row_spec(), _row_spec(),
        _full_spec((EMB, 128)), _full_spec((EMB, 128)), _full_spec((1, 128)),
        _full_spec((128, 64)), _full_spec((1, 64)),
        _full_spec((64, 32)), _full_spec((1, 32)),
        _full_spec((EMB, 1)), _full_spec((32, 1)), _full_spec((1, 1)),
    ],
    out_specs=pl.BlockSpec((BB, 1), lambda i: (i, 0)),
    out_shape=jax.ShapeDtypeStruct((BATCH, 1), jnp.float32),
)


@jax.jit
def kernel(user_ids, item_ids, gmf_user_emb, gmf_item_emb, mlp_user_emb,
           mlp_item_emb, W1, b1, W2, b2, W3, b3, Wo, bo):
    uid2d = user_ids.astype(jnp.int32).reshape(IDROWS, CH)
    iid2d = item_ids.astype(jnp.int32).reshape(IDROWS, CH)
    utab = jnp.concatenate([gmf_user_emb, mlp_user_emb], axis=1)
    itab = jnp.concatenate([gmf_item_emb, mlp_item_emb], axis=1)
    rows_u = _sc_gather(uid2d, utab)
    rows_i = _sc_gather(iid2d, itab)
    pred = _tc_mlp(rows_u, rows_i,
                   W1[:EMB], W1[EMB:], b1.reshape(1, -1),
                   W2, b2.reshape(1, -1), W3, b3.reshape(1, -1),
                   Wo[:EMB], Wo[EMB:], bo.reshape(1, 1))
    return pred.reshape(BATCH)

# --- scband reference (transcript-rebuilt; emitter-appended) ---
"""Pipeline reference for scband-neural-collaborative-filtering-42193758715905 (READ-ONLY COPY).

The authoritative reference and input builder live on the scoring server;
editing this copy changes nothing except your own understanding.
"""

import jax, jax.numpy as jnp
import numpy as np

N_USERS = 100000
N_ITEMS = 100000
EMB = 64
BATCH = 16384
MLP_DIMS = [128, 64, 32]


def setup_inputs(seed: int = 0) -> dict:
    key = jax.random.key(seed)
    ks = jax.random.split(key, 16)
    user_ids = jax.random.randint(ks[0], (BATCH,), 0, N_USERS, dtype=jnp.int64 if jax.config.jax_enable_x64 else jnp.int32)
    item_ids = jax.random.randint(ks[1], (BATCH,), 0, N_ITEMS, dtype=jnp.int64 if jax.config.jax_enable_x64 else jnp.int32)
    gmf_user_emb = jax.random.normal(ks[2], (N_USERS, EMB), dtype=jnp.float32) * 0.01
    gmf_item_emb = jax.random.normal(ks[3], (N_ITEMS, EMB), dtype=jnp.float32) * 0.01
    mlp_user_emb = jax.random.normal(ks[4], (N_USERS, EMB), dtype=jnp.float32) * 0.01
    mlp_item_emb = jax.random.normal(ks[5], (N_ITEMS, EMB), dtype=jnp.float32) * 0.01
    # MLP: 128 -> 128 -> 64 -> 32 ; weights stored as [in, out]
    W1 = jax.random.normal(ks[6], (2 * EMB, MLP_DIMS[0]), dtype=jnp.float32) * (1.0 / np.sqrt(2 * EMB))
    b1 = jnp.zeros((MLP_DIMS[0],), dtype=jnp.float32)
    W2 = jax.random.normal(ks[7], (MLP_DIMS[0], MLP_DIMS[1]), dtype=jnp.float32) * (1.0 / np.sqrt(MLP_DIMS[0]))
    b2 = jnp.zeros((MLP_DIMS[1],), dtype=jnp.float32)
    W3 = jax.random.normal(ks[8], (MLP_DIMS[1], MLP_DIMS[2]), dtype=jnp.float32) * (1.0 / np.sqrt(MLP_DIMS[1]))
    b3 = jnp.zeros((MLP_DIMS[2],), dtype=jnp.float32)
    Wo = jax.random.normal(ks[9], (EMB + MLP_DIMS[2], 1), dtype=jnp.float32) * (1.0 / np.sqrt(EMB + MLP_DIMS[2]))
    bo = jnp.zeros((1,), dtype=jnp.float32)
    return {
        "user_ids": user_ids,
        "item_ids": item_ids,
        "gmf_user_emb": gmf_user_emb,
        "gmf_item_emb": gmf_item_emb,
        "mlp_user_emb": mlp_user_emb,
        "mlp_item_emb": mlp_item_emb,
        "W1": W1, "b1": b1,
        "W2": W2, "b2": b2,
        "W3": W3, "b3": b3,
        "Wo": Wo, "bo": bo,
    }


def reference(user_ids, item_ids, gmf_user_emb, gmf_item_emb, mlp_user_emb, mlp_item_emb, W1, b1, W2, b2, W3, b3, Wo, bo):
    # GMF path: elementwise product of embeddings
    gmf_user = jnp.take(gmf_user_emb, user_ids, axis=0)
    gmf_item = jnp.take(gmf_item_emb, item_ids, axis=0)
    gmf_output = gmf_user * gmf_item
    # MLP path (dropout is identity in eval mode)
    mlp_user = jnp.take(mlp_user_emb, user_ids, axis=0)
    mlp_item = jnp.take(mlp_item_emb, item_ids, axis=0)
    h = jnp.concatenate([mlp_user, mlp_item], axis=-1)
    h = jax.nn.relu(h @ W1 + b1)
    h = jax.nn.relu(h @ W2 + b2)
    h = jax.nn.relu(h @ W3 + b3)
    combined = jnp.concatenate([gmf_output, h], axis=-1)
    prediction = (combined @ Wo + bo).squeeze(-1)
    return prediction

if __name__ == "__main__":
    import jax
    _d = setup_inputs()
    print(jax.jit(kernel)(*tuple(_d.values())))

</pallas_src>

<mosaic_0001>
#map = affine_map<(d0, d1) -> (0, 0)>
module attributes {stable_mosaic.version = 14 : i64} {
  func.func @_sc_gather(%arg0: i32, %arg1: i32, %arg2: memref<128x128xi32, #tpu.memory_space<hbm>>, %arg3: memref<100000x128xf32, #tpu.memory_space<hbm>>, %arg4: memref<16384x128xf32, #tpu.memory_space<hbm>>, %arg5: memref<4x128xi32, #tpu.memory_space<vmem>>, %arg6: memref<128x128xf32, #tpu.memory_space<vmem>>, %arg7: memref<128x128xf32, #tpu.memory_space<vmem>>, %arg8: memref<!tpu.dma_semaphore, #tpu.memory_space<semaphore_mem>>, %arg9: memref<!tpu.dma_semaphore, #tpu.memory_space<semaphore_mem>>) attributes {dimension_semantics = [#tpu.dimension_semantics<core_parallel>, #tpu.dimension_semantics<subcore_parallel>], iteration_bounds = array<i64: 2, 16>, scalar_prefetch = 0 : i64, scratch_operands = 5 : i64, tpu.core_type = #tpu.core_type<sc_vector_subcore>, window_params = [{transform_indices = #map}, {transform_indices = #map}, {transform_indices = #map}]} {
    %mul3A = arith.constant 2 : i32
    %mul3A_0 = arith.muli %arg1, %mul3A : i32
    %add3A = arith.addi %mul3A_0, %arg0 : i32
    %mul3A_1 = arith.constant 512 : i32
    %mul3A_2 = arith.muli %add3A, %mul3A_1 : i32
    %mul3A_3 = arith.constant 4 : i32
    %mul3A_4 = arith.muli %add3A, %mul3A_3 : i32
    "tpu.region"() ({
      %run_scoped3A = tpu.sem_alloc : memref<!tpu.dma_semaphore, #tpu.memory_space<semaphore_mem>>
      %dma_start3A_99 = arith.constant 0 : i32
      %dma_start3A_100 = tpu.memref_slice %arg2[%mul3A_4, %dma_start3A_99] : memref<128x128xi32, #tpu.memory_space<hbm>> -> memref<4x128xi32, #tpu.memory_space<hbm>>
      %dma_start3A_101 = arith.constant 0 : i32
      %dma_start3A_102 = tpu.memref_slice %arg2[%mul3A_4, %dma_start3A_101] : memref<128x128xi32, #tpu.memory_space<hbm>> -> memref<4x128xi32, #tpu.memory_space<hbm>>
      tpu.enqueue_dma source(%dma_start3A_102 : memref<4x128xi32, #tpu.memory_space<hbm>>) target(%arg5 : memref<4x128xi32, #tpu.memory_space<vmem>>) target_semaphore(%run_scoped3A : memref<!tpu.dma_semaphore, #tpu.memory_space<semaphore_mem>>)
      %dma_wait3A_103 = arith.constant 0 : i32
      %dma_wait3A_104 = tpu.memref_slice %arg2[%mul3A_4, %dma_wait3A_103] : memref<128x128xi32, #tpu.memory_space<hbm>> -> memref<4x128xi32, #tpu.memory_space<hbm>>
      %dma_wait3A_105 = arith.constant 0 : i32
      %dma_wait3A_106 = tpu.memref_slice %arg2[%mul3A_4, %dma_wait3A_105] : memref<128x128xi32, #tpu.memory_space<hbm>> -> memref<4x128xi32, #tpu.memory_space<hbm>>
      tpu.wait_dma2 semaphore(%run_scoped3A : memref<!tpu.dma_semaphore, #tpu.memory_space<semaphore_mem>>) src(%dma_wait3A_106 : memref<4x128xi32, #tpu.memory_space<hbm>>) dst(%arg5 : memref<4x128xi32, #tpu.memory_space<vmem>>)
      tpu.yield
    }) : () -> ()
    %dma_start3A = arith.constant 0 : i32
    %dma_start3A_5 = arith.constant 0 : i32
    %dma_start3A_6 = tpu.memref_slice %arg5[%dma_start3A, %dma_start3A_5] : memref<4x128xi32, #tpu.memory_space<vmem>> -> memref<1x128xi32, #tpu.memory_space<vmem>>
    %dma_start3A_7 = tpu.memref_squeeze %dma_start3A_6 : memref<1x128xi32, #tpu.memory_space<vmem>> -> memref<128xi32, #tpu.memory_space<vmem>>
    %dma_start3A_8 = arith.constant 0 : i32
    %dma_start3A_9 = arith.constant 0 : i32
    %dma_start3A_10 = tpu.memref_slice %arg3[%dma_start3A_8, %dma_start3A_9] : memref<100000x128xf32, #tpu.memory_space<hbm>> -> memref<100000x128xf32, #tpu.memory_space<hbm>>
    tpu.enqueue_indirect_dma source(%dma_start3A_10 : memref<100000x128xf32, #tpu.memory_space<hbm>>) target(%arg6 : memref<128x128xf32, #tpu.memory_space<vmem>>) offsets(%dma_start3A_7 : memref<128xi32, #tpu.memory_space<vmem>>) semaphore(%arg8 : memref<!tpu.dma_semaphore, #tpu.memory_space<semaphore_mem>>)
    %dma_start3A_11 = arith.constant 1 : i32
    %dma_start3A_12 = arith.constant 0 : i32
    %dma_start3A_13 = tpu.memref_slice %arg5[%dma_start3A_11, %dma_start3A_12] : memref<4x128xi32, #tpu.memory_space<vmem>> -> memref<1x128xi32, #tpu.memory_space<vmem>>
    %dma_start3A_14 = tpu.memref_squeeze %dma_start3A_13 : memref<1x128xi32, #tpu.memory_space<vmem>> -> memref<128xi32, #tpu.memory_space<vmem>>
    %dma_start3A_15 = arith.constant 0 : i32
    %dma_start3A_16 = arith.constant 0 : i32
    %dma_start3A_17 = tpu.memref_slice %arg3[%dma_start3A_15, %dma_start3A_16] : memref<100000x128xf32, #tpu.memory_space<hbm>> -> memref<100000x128xf32, #tpu.memory_space<hbm>>
    tpu.enqueue_indirect_dma source(%dma_start3A_17 : memref<100000x128xf32, #tpu.memory_space<hbm>>) target(%arg7 : memref<128x128xf32, #tpu.memory_space<vmem>>) offsets(%dma_start3A_14 : memref<128xi32, #tpu.memory_space<vmem>>) semaphore(%arg8 : memref<!tpu.dma_semaphore, #tpu.memory_space<semaphore_mem>>)
    %dma_wait3A = arith.constant 0 : i32
    %dma_wait3A_18 = arith.constant 0 : i32
    %dma_wait3A_19 = tpu.memref_slice %arg5[%dma_wait3A, %dma_wait3A_18] : memref<4x128xi32, #tpu.memory_space<vmem>> -> memref<1x128xi32, #tpu.memory_space<vmem>>
    %dma_wait3A_20 = tpu.memref_squeeze %dma_wait3A_19 : memref<1x128xi32, #tpu.memory_space<vmem>> -> memref<128xi32, #tpu.memory_space<vmem>>
    %dma_wait3A_21 = arith.constant 0 : i32
    %dma_wait3A_22 = arith.constant 0 : i32
    %dma_wait3A_23 = tpu.memref_slice %arg3[%dma_wait3A_21, %dma_wait3A_22] : memref<100000x128xf32, #tpu.memory_space<hbm>> -> memref<100000x128xf32, #tpu.memory_space<hbm>>
    tpu.wait_indirect_dma semaphore(%arg8 : memref<!tpu.dma_semaphore, #tpu.memory_space<semaphore_mem>>) src(%dma_wait3A_23 : memref<100000x128xf32, #tpu.memory_space<hbm>>) dst(%arg6 : memref<128x128xf32, #tpu.memory_space<vmem>>)
    %add3A_24 = arith.constant 0 : i32
    %add3A_25 = arith.addi %mul3A_2, %add3A_24 : i32
    %dma_start3A_26 = arith.constant 0 : i32
    %dma_start3A_27 = tpu.memref_slice %arg4[%add3A_25, %dma_start3A_26] : memref<16384x128xf32, #tpu.memory_space<hbm>> -> memref<128x128xf32, #tpu.memory_space<hbm>>
    %dma_start3A_28 = arith.constant 0 : i32
    %dma_start3A_29 = tpu.memref_slice %arg4[%add3A_25, %dma_start3A_28] : memref<16384x128xf32, #tpu.memory_space<hbm>> -> memref<128x128xf32, #tpu.memory_space<hbm>>
    tpu.enqueue_dma source(%arg6 : memref<128x128xf32, #tpu.memory_space<vmem>>) target(%dma_start3A_29 : memref<128x128xf32, #tpu.memory_space<hbm>>) target_semaphore(%arg9 : memref<!tpu.dma_semaphore, #tpu.memory_space<semaphore_mem>>)
    %dma_wait3A_30 = arith.constant 0 : i32
    %dma_wait3A_31 = tpu.memref_slice %arg4[%add3A_25, %dma_wait3A_30] : memref<16384x128xf32, #tpu.memory_space<hbm>> -> memref<128x128xf32, #tpu.memory_space<hbm>>
    %dma_wait3A_32 = arith.constant 0 : i32
    %dma_wait3A_33 = tpu.memref_slice %arg4[%add3A_25, %dma_wait3A_32] : memref<16384x128xf32, #tpu.memory_space<hbm>> -> memref<128x128xf32, #tpu.memory_space<hbm>>
    tpu.wait_dma2 semaphore(%arg9 : memref<!tpu.dma_semaphore, #tpu.memory_space<semaphore_mem>>) src(%arg6 : memref<128x128xf32, #tpu.memory_space<vmem>>) dst(%dma_wait3A_33 : memref<128x128xf32, #tpu.memory_space<hbm>>)
    %dma_start3A_34 = arith.constant 2 : i32
    %dma_start3A_35 = arith.constant 0 : i32
    %dma_start3A_36 = tpu.memref_slice %arg5[%dma_start3A_34, %dma_start3A_35] : memref<4x128xi32, #tpu.memory_space<vmem>> -> memref<1x128xi32, #tpu.memory_space<vmem>>
    %dma_start3A_37 = tpu.memref_squeeze %dma_start3A_36 : memref<1x128xi32, #tpu.memory_space<vmem>> -> memref<128xi32, #tpu.memory_space<vmem>>
    %dma_start3A_38 = arith.constant 0 : i32
    %dma_start3A_39 = arith.constant 0 : i32
    %dma_start3A_40 = tpu.memref_slice %arg3[%dma_start3A_38, %dma_start3A_39] : memref<100000x128xf32, #tpu.memory_space<hbm>> -> memref<100000x128xf32, #tpu.memory_space<hbm>>
    tpu.enqueue_indirect_dma source(%dma_start3A_40 : memref<100000x128xf32, #tpu.memory_space<hbm>>) target(%arg6 : memref<128x128xf32, #tpu.memory_space<vmem>>) offsets(%dma_start3A_37 : memref<128xi32, #tpu.memory_space<vmem>>) semaphore(%arg8 : memref<!tpu.dma_semaphore, #tpu.memory_space<semaphore_mem>>)
    %dma_wait3A_41 = arith.constant 1 : i32
    %dma_wait3A_42 = arith.constant 0 : i32
    %dma_wait3A_43 = tpu.memref_slice %arg5[%dma_wait3A_41, %dma_wait3A_42] : memref<4x128xi32, #tpu.memory_space<vmem>> -> memref<1x128xi32, #tpu.memory_space<vmem>>
    %dma_wait3A_44 = tpu.memref_squeeze %dma_wait3A_43 : memref<1x128xi32, #tpu.memory_space<vmem>> -> memref<128xi32, #tpu.memory_space<vmem>>
    %dma_wait3A_45 = arith.constant 0 : i32
    %dma_wait3A_46 = arith.constant 0 : i32
    %dma_wait3A_47 = tpu.memref_slice %arg3[%dma_wait3A_45, %dma_wait3A_46] : memref<100000x128xf32, #tpu.memory_space<hbm>> -> memref<100000x128xf32, #tpu.memory_space<hbm>>
    tpu.wait_indirect_dma semaphore(%arg8 : memref<!tpu.dma_semaphore, #tpu.memory_space<semaphore_mem>>) src(%dma_wait3A_47 : memref<100000x128xf32, #tpu.memory_space<hbm>>) dst(%arg7 : memref<128x128xf32, #tpu.memory_space<vmem>>)
    %add3A_48 = arith.constant 128 : i32
    %add3A_49 = arith.addi %mul3A_2, %add3A_48 : i32
    %dma_start3A_50 = arith.constant 0 : i32
    %dma_start3A_51 = tpu.memref_slice %arg4[%add3A_49, %dma_start3A_50] : memref<16384x128xf32, #tpu.memory_space<hbm>> -> memref<128x128xf32, #tpu.memory_space<hbm>>
    %dma_start3A_52 = arith.constant 0 : i32
    %dma_start3A_53 = tpu.memref_slice %arg4[%add3A_49, %dma_start3A_52] : memref<16384x128xf32, #tpu.memory_space<hbm>> -> memref<128x128xf32, #tpu.memory_space<hbm>>
    tpu.enqueue_dma source(%arg7 : memref<128x128xf32, #tpu.memory_space<vmem>>) target(%dma_start3A_53 : memref<128x128xf32, #tpu.memory_space<hbm>>) target_semaphore(%arg9 : memref<!tpu.dma_semaphore, #tpu.memory_space<semaphore_mem>>)
    %dma_wait3A_54 = arith.constant 0 : i32
    %dma_wait3A_55 = tpu.memref_slice %arg4[%add3A_49, %dma_wait3A_54] : memref<16384x128xf32, #tpu.memory_space<hbm>> -> memref<128x128xf32, #tpu.memory_space<hbm>>
    %dma_wait3A_56 = arith.constant 0 : i32
    %dma_wait3A_57 = tpu.memref_slice %arg4[%add3A_49, %dma_wait3A_56] : memref<16384x128xf32, #tpu.memory_space<hbm>> -> memref<128x128xf32, #tpu.memory_space<hbm>>
    tpu.wait_dma2 semaphore(%arg9 : memref<!tpu.dma_semaphore, #tpu.memory_space<semaphore_mem>>) src(%arg7 : memref<128x128xf32, #tpu.memory_space<vmem>>) dst(%dma_wait3A_57 : memref<128x128xf32, #tpu.memory_space<hbm>>)
    %dma_start3A_58 = arith.constant 3 : i32
    %dma_start3A_59 = arith.constant 0 : i32
    %dma_start3A_60 = tpu.memref_slice %arg5[%dma_start3A_58, %dma_start3A_59] : memref<4x128xi32, #tpu.memory_space<vmem>> -> memref<1x128xi32, #tpu.memory_space<vmem>>
    %dma_start3A_61 = tpu.memref_squeeze %dma_start3A_60 : memref<1x128xi32, #tpu.memory_space<vmem>> -> memref<128xi32, #tpu.memory_space<vmem>>
    %dma_start3A_62 = arith.constant 0 : i32
    %dma_start3A_63 = arith.constant 0 : i32
    %dma_start3A_64 = tpu.memref_slice %arg3[%dma_start3A_62, %dma_start3A_63] : memref<100000x128xf32, #tpu.memory_space<hbm>> -> memref<100000x128xf32, #tpu.memory_space<hbm>>
    tpu.enqueue_indirect_dma source(%dma_start3A_64 : memref<100000x128xf32, #tpu.memory_space<hbm>>) target(%arg7 : memref<128x128xf32, #tpu.memory_space<vmem>>) offsets(%dma_start3A_61 : memref<128xi32, #tpu.memory_space<vmem>>) semaphore(%arg8 : memref<!tpu.dma_semaphore, #tpu.memory_space<semaphore_mem>>)
    %dma_wait3A_65 = arith.constant 2 : i32
    %dma_wait3A_66 = arith.constant 0 : i32
    %dma_wait3A_67 = tpu.memref_slice %arg5[%dma_wait3A_65, %dma_wait3A_66] : memref<4x128xi32, #tpu.memory_space<vmem>> -> memref<1x128xi32, #tpu.memory_space<vmem>>
    %dma_wait3A_68 = tpu.memref_squeeze %dma_wait3A_67 : memref<1x128xi32, #tpu.memory_space<vmem>> -> memref<128xi32, #tpu.memory_space<vmem>>
    %dma_wait3A_69 = arith.constant 0 : i32
    %dma_wait3A_70 = arith.constant 0 : i32
    %dma_wait3A_71 = tpu.memref_slice %arg3[%dma_wait3A_69, %dma_wait3A_70] : memref<100000x128xf32, #tpu.memory_space<hbm>> -> memref<100000x128xf32, #tpu.memory_space<hbm>>
    tpu.wait_indirect_dma semaphore(%arg8 : memref<!tpu.dma_semaphore, #tpu.memory_space<semaphore_mem>>) src(%dma_wait3A_71 : memref<100000x128xf32, #tpu.memory_space<hbm>>) dst(%arg6 : memref<128x128xf32, #tpu.memory_space<vmem>>)
    %add3A_72 = arith.constant 256 : i32
    %add3A_73 = arith.addi %mul3A_2, %add3A_72 : i32
    %dma_start3A_74 = arith.constant 0 : i32
    %dma_start3A_75 = tpu.memref_slice %arg4[%add3A_73, %dma_start3A_74] : memref<16384x128xf32, #tpu.memory_space<hbm>> -> memref<128x128xf32, #tpu.memory_space<hbm>>
    %dma_start3A_76 = arith.constant 0 : i32
    %dma_start3A_77 = tpu.memref_slice %arg4[%add3A_73, %dma_start3A_76] : memref<16384x128xf32, #tpu.memory_space<hbm>> -> memref<128x128xf32, #tpu.memory_space<hbm>>
    tpu.enqueue_dma source(%arg6 : memref<128x128xf32, #tpu.memory_space<vmem>>) target(%dma_start3A_77 : memref<128x128xf32, #tpu.memory_space<hbm>>) target_semaphore(%arg9 : memref<!tpu.dma_semaphore, #tpu.memory_space<semaphore_mem>>)
    %dma_wait3A_78 = arith.constant 3 : i32
    %dma_wait3A_79 = arith.constant 0 : i32
    %dma_wait3A_80 = tpu.memref_slice %arg5[%dma_wait3A_78, %dma_wait3A_79] : memref<4x128xi32, #tpu.memory_space<vmem>> -> memref<1x128xi32, #tpu.memory_space<vmem>>
    %dma_wait3A_81 = tpu.memref_squeeze %dma_wait3A_80 : memref<1x128xi32, #tpu.memory_space<vmem>> -> memref<128xi32, #tpu.memory_space<vmem>>
    %dma_wait3A_82 = arith.constant 0 : i32
    %dma_wait3A_83 = arith.constant 0 : i32
    %dma_wait3A_84 = tpu.memref_slice %arg3[%dma_wait3A_82, %dma_wait3A_83] : memref<100000x128xf32, #tpu.memory_space<hbm>> -> memref<100000x128xf32, #tpu.memory_space<hbm>>
    tpu.wait_indirect_dma semaphore(%arg8 : memref<!tpu.dma_semaphore, #tpu.memory_space<semaphore_mem>>) src(%dma_wait3A_84 : memref<100000x128xf32, #tpu.memory_space<hbm>>) dst(%arg7 : memref<128x128xf32, #tpu.memory_space<vmem>>)
    %add3A_85 = arith.constant 384 : i32
    %add3A_86 = arith.addi %mul3A_2, %add3A_85 : i32
    %dma_start3A_87 = arith.constant 0 : i32
    %dma_start3A_88 = tpu.memref_slice %arg4[%add3A_86, %dma_start3A_87] : memref<16384x128xf32, #tpu.memory_space<hbm>> -> memref<128x128xf32, #tpu.memory_space<hbm>>
    %dma_start3A_89 = arith.constant 0 : i32
    %dma_start3A_90 = tpu.memref_slice %arg4[%add3A_86, %dma_start3A_89] : memref<16384x128xf32, #tpu.memory_space<hbm>> -> memref<128x128xf32, #tpu.memory_space<hbm>>
    tpu.enqueue_dma source(%arg7 : memref<128x128xf32, #tpu.memory_space<vmem>>) target(%dma_start3A_90 : memref<128x128xf32, #tpu.memory_space<hbm>>) target_semaphore(%arg9 : memref<!tpu.dma_semaphore, #tpu.memory_space<semaphore_mem>>)
    %dma_wait3A_91 = arith.constant 0 : i32
    %dma_wait3A_92 = tpu.memref_slice %arg4[%add3A_73, %dma_wait3A_91] : memref<16384x128xf32, #tpu.memory_space<hbm>> -> memref<128x128xf32, #tpu.memory_space<hbm>>
    %dma_wait3A_93 = arith.constant 0 : i32
    %dma_wait3A_94 = tpu.memref_slice %arg4[%add3A_73, %dma_wait3A_93] : memref<16384x128xf32, #tpu.memory_space<hbm>> -> memref<128x128xf32, #tpu.memory_space<hbm>>
    tpu.wait_dma2 semaphore(%arg9 : memref<!tpu.dma_semaphore, #tpu.memory_space<semaphore_mem>>) src(%arg6 : memref<128x128xf32, #tpu.memory_space<vmem>>) dst(%dma_wait3A_94 : memref<128x128xf32, #tpu.memory_space<hbm>>)
    %dma_wait3A_95 = arith.constant 0 : i32
    %dma_wait3A_96 = tpu.memref_slice %arg4[%add3A_86, %dma_wait3A_95] : memref<16384x128xf32, #tpu.memory_space<hbm>> -> memref<128x128xf32, #tpu.memory_space<hbm>>
    %dma_wait3A_97 = arith.constant 0 : i32
    %dma_wait3A_98 = tpu.memref_slice %arg4[%add3A_86, %dma_wait3A_97] : memref<16384x128xf32, #tpu.memory_space<hbm>> -> memref<128x128xf32, #tpu.memory_space<hbm>>
    tpu.wait_dma2 semaphore(%arg9 : memref<!tpu.dma_semaphore, #tpu.memory_space<semaphore_mem>>) src(%arg7 : memref<128x128xf32, #tpu.memory_space<vmem>>) dst(%dma_wait3A_98 : memref<128x128xf32, #tpu.memory_space<hbm>>)
    return
  }
}

#map = affine_map<(d0, d1) -> (0, 0)>
module attributes {stable_mosaic.version = 14 : i64} {
  func.func @_sc_gather(%arg0: i32, %arg1: i32, %arg2: memref<128x128xi32, #tpu.memory_space<hbm>>, %arg3: memref<100000x128xf32, #tpu.memory_space<hbm>>, %arg4: memref<16384x128xf32, #tpu.memory_space<hbm>>, %arg5: memref<4x128xi32, #tpu.memory_space<vmem>>, %arg6: memref<128x128xf32, #tpu.memory_space<vmem>>, %arg7: memref<128x128xf32, #tpu.memory_space<vmem>>, %arg8: memref<!tpu.dma_semaphore, #tpu.memory_space<semaphore_mem>>, %arg9: memref<!tpu.dma_semaphore, #tpu.memory_space<semaphore_mem>>) attributes {dimension_semantics = [#tpu.dimension_semantics<core_parallel>, #tpu.dimension_semantics<subcore_parallel>], iteration_bounds = array<i64: 2, 16>, scalar_prefetch = 0 : i64, scratch_operands = 5 : i64, tpu.core_type = #tpu.core_type<sc_vector_subcore>, window_params = [{transform_indices = #map}, {transform_indices = #map}, {transform_indices = #map}]} {
    %mul3A = arith.constant 2 : i32
    %mul3A_0 = arith.muli %arg1, %mul3A : i32
    %add3A = arith.addi %mul3A_0, %arg0 : i32
    %mul3A_1 = arith.constant 512 : i32
    %mul3A_2 = arith.muli %add3A, %mul3A_1 : i32
    %mul3A_3 = arith.constant 4 : i32
    %mul3A_4 = arith.muli %add3A, %mul3A_3 : i32
    "tpu.region"() ({
      %run_scoped3A = tpu.sem_alloc : memref<!tpu.dma_semaphore, #tpu.memory_space<semaphore_mem>>
      %dma_start3A_99 = arith.constant 0 : i32
      %dma_start3A_100 = tpu.memref_slice %arg2[%mul3A_4, %dma_start3A_99] : memref<128x128xi32, #tpu.memory_space<hbm>> -> memref<4x128xi32, #tpu.memory_space<hbm>>
      %dma_start3A_101 = arith.constant 0 : i32
      %dma_start3A_102 = tpu.memref_slice %arg2[%mul3A_4, %dma_start3A_101] : memref<128x128xi32, #tpu.memory_space<hbm>> -> memref<4x128xi32, #tpu.memory_space<hbm>>
      tpu.enqueue_dma source(%dma_start3A_102 : memref<4x128xi32, #tpu.memory_space<hbm>>) target(%arg5 : memref<4x128xi32, #tpu.memory_space<vmem>>) target_semaphore(%run_scoped3A : memref<!tpu.dma_semaphore, #tpu.memory_space<semaphore_mem>>)
      %dma_wait3A_103 = arith.constant 0 : i32
      %dma_wait3A_104 = tpu.memref_slice %arg2[%mul3A_4, %dma_wait3A_103] : memref<128x128xi32, #tpu.memory_space<hbm>> -> memref<4x128xi32, #tpu.memory_space<hbm>>
      %dma_wait3A_105 = arith.constant 0 : i32
      %dma_wait3A_106 = tpu.memref_slice %arg2[%mul3A_4, %dma_wait3A_105] : memref<128x128xi32, #tpu.memory_space<hbm>> -> memref<4x128xi32, #tpu.memory_space<hbm>>
      tpu.wait_dma2 semaphore(%run_scoped3A : memref<!tpu.dma_semaphore, #tpu.memory_space<semaphore_mem>>) src(%dma_wait3A_106 : memref<4x128xi32, #tpu.memory_space<hbm>>) dst(%arg5 : memref<4x128xi32, #tpu.memory_space<vmem>>)
      tpu.yield
    }) : () -> ()
    %dma_start3A = arith.constant 0 : i32
    %dma_start3A_5 = arith.constant 0 : i32
    %dma_start3A_6 = tpu.memref_slice %arg5[%dma_start3A, %dma_start3A_5] : memref<4x128xi32, #tpu.memory_space<vmem>> -> memref<1x128xi32, #tpu.memory_space<vmem>>
    %dma_start3A_7 = tpu.memref_squeeze %dma_start3A_6 : memref<1x128xi32, #tpu.memory_space<vmem>> -> memref<128xi32, #tpu.memory_space<vmem>>
    %dma_start3A_8 = arith.constant 0 : i32
    %dma_start3A_9 = arith.constant 0 : i32
    %dma_start3A_10 = tpu.memref_slice %arg3[%dma_start3A_8, %dma_start3A_9] : memref<100000x128xf32, #tpu.memory_space<hbm>> -> memref<100000x128xf32, #tpu.memory_space<hbm>>
    tpu.enqueue_indirect_dma source(%dma_start3A_10 : memref<100000x128xf32, #tpu.memory_space<hbm>>) target(%arg6 : memref<128x128xf32, #tpu.memory_space<vmem>>) offsets(%dma_start3A_7 : memref<128xi32, #tpu.memory_space<vmem>>) semaphore(%arg8 : memref<!tpu.dma_semaphore, #tpu.memory_space<semaphore_mem>>)
    %dma_start3A_11 = arith.constant 1 : i32
    %dma_start3A_12 = arith.constant 0 : i32
    %dma_start3A_13 = tpu.memref_slice %arg5[%dma_start3A_11, %dma_start3A_12] : memref<4x128xi32, #tpu.memory_space<vmem>> -> memref<1x128xi32, #tpu.memory_space<vmem>>
    %dma_start3A_14 = tpu.memref_squeeze %dma_start3A_13 : memref<1x128xi32, #tpu.memory_space<vmem>> -> memref<128xi32, #tpu.memory_space<vmem>>
    %dma_start3A_15 = arith.constant 0 : i32
    %dma_start3A_16 = arith.constant 0 : i32
    %dma_start3A_17 = tpu.memref_slice %arg3[%dma_start3A_15, %dma_start3A_16] : memref<100000x128xf32, #tpu.memory_space<hbm>> -> memref<100000x128xf32, #tpu.memory_space<hbm>>
    tpu.enqueue_indirect_dma source(%dma_start3A_17 : memref<100000x128xf32, #tpu.memory_space<hbm>>) target(%arg7 : memref<128x128xf32, #tpu.memory_space<vmem>>) offsets(%dma_start3A_14 : memref<128xi32, #tpu.memory_space<vmem>>) semaphore(%arg8 : memref<!tpu.dma_semaphore, #tpu.memory_space<semaphore_mem>>)
    %dma_wait3A = arith.constant 0 : i32
    %dma_wait3A_18 = arith.constant 0 : i32
    %dma_wait3A_19 = tpu.memref_slice %arg5[%dma_wait3A, %dma_wait3A_18] : memref<4x128xi32, #tpu.memory_space<vmem>> -> memref<1x128xi32, #tpu.memory_space<vmem>>
    %dma_wait3A_20 = tpu.memref_squeeze %dma_wait3A_19 : memref<1x128xi32, #tpu.memory_space<vmem>> -> memref<128xi32, #tpu.memory_space<vmem>>
    %dma_wait3A_21 = arith.constant 0 : i32
    %dma_wait3A_22 = arith.constant 0 : i32
    %dma_wait3A_23 = tpu.memref_slice %arg3[%dma_wait3A_21, %dma_wait3A_22] : memref<100000x128xf32, #tpu.memory_space<hbm>> -> memref<100000x128xf32, #tpu.memory_space<hbm>>
    tpu.wait_indirect_dma semaphore(%arg8 : memref<!tpu.dma_semaphore, #tpu.memory_space<semaphore_mem>>) src(%dma_wait3A_23 : memref<100000x128xf32, #tpu.memory_space<hbm>>) dst(%arg6 : memref<128x128xf32, #tpu.memory_space<vmem>>)
    %add3A_24 = arith.constant 0 : i32
    %add3A_25 = arith.addi %mul3A_2, %add3A_24 : i32
    %dma_start3A_26 = arith.constant 0 : i32
    %dma_start3A_27 = tpu.memref_slice %arg4[%add3A_25, %dma_start3A_26] : memref<16384x128xf32, #tpu.memory_space<hbm>> -> memref<128x128xf32, #tpu.memory_space<hbm>>
    %dma_start3A_28 = arith.constant 0 : i32
    %dma_start3A_29 = tpu.memref_slice %arg4[%add3A_25, %dma_start3A_28] : memref<16384x128xf32, #tpu.memory_space<hbm>> -> memref<128x128xf32, #tpu.memory_space<hbm>>
    tpu.enqueue_dma source(%arg6 : memref<128x128xf32, #tpu.memory_space<vmem>>) target(%dma_start3A_29 : memref<128x128xf32, #tpu.memory_space<hbm>>) target_semaphore(%arg9 : memref<!tpu.dma_semaphore, #tpu.memory_space<semaphore_mem>>)
    %dma_wait3A_30 = arith.constant 0 : i32
    %dma_wait3A_31 = tpu.memref_slice %arg4[%add3A_25, %dma_wait3A_30] : memref<16384x128xf32, #tpu.memory_space<hbm>> -> memref<128x128xf32, #tpu.memory_space<hbm>>
    %dma_wait3A_32 = arith.constant 0 : i32
    %dma_wait3A_33 = tpu.memref_slice %arg4[%add3A_25, %dma_wait3A_32] : memref<16384x128xf32, #tpu.memory_space<hbm>> -> memref<128x128xf32, #tpu.memory_space<hbm>>
    tpu.wait_dma2 semaphore(%arg9 : memref<!tpu.dma_semaphore, #tpu.memory_space<semaphore_mem>>) src(%arg6 : memref<128x128xf32, #tpu.memory_space<vmem>>) dst(%dma_wait3A_33 : memref<128x128xf32, #tpu.memory_space<hbm>>)
    %dma_start3A_34 = arith.constant 2 : i32
    %dma_start3A_35 = arith.constant 0 : i32
    %dma_start3A_36 = tpu.memref_slice %arg5[%dma_start3A_34, %dma_start3A_35] : memref<4x128xi32, #tpu.memory_space<vmem>> -> memref<1x128xi32, #tpu.memory_space<vmem>>
    %dma_start3A_37 = tpu.memref_squeeze %dma_start3A_36 : memref<1x128xi32, #tpu.memory_space<vmem>> -> memref<128xi32, #tpu.memory_space<vmem>>
    %dma_start3A_38 = arith.constant 0 : i32
    %dma_start3A_39 = arith.constant 0 : i32
    %dma_start3A_40 = tpu.memref_slice %arg3[%dma_start3A_38, %dma_start3A_39] : memref<100000x128xf32, #tpu.memory_space<hbm>> -> memref<100000x128xf32, #tpu.memory_space<hbm>>
    tpu.enqueue_indirect_dma source(%dma_start3A_40 : memref<100000x128xf32, #tpu.memory_space<hbm>>) target(%arg6 : memref<128x128xf32, #tpu.memory_space<vmem>>) offsets(%dma_start3A_37 : memref<128xi32, #tpu.memory_space<vmem>>) semaphore(%arg8 : memref<!tpu.dma_semaphore, #tpu.memory_space<semaphore_mem>>)
    %dma_wait3A_41 = arith.constant 1 : i32
    %dma_wait3A_42 = arith.constant 0 : i32
    %dma_wait3A_43 = tpu.memref_slice %arg5[%dma_wait3A_41, %dma_wait3A_42] : memref<4x128xi32, #tpu.memory_space<vmem>> -> memref<1x128xi32, #tpu.memory_space<vmem>>
    %dma_wait3A_44 = tpu.memref_squeeze %dma_wait3A_43 : memref<1x128xi32, #tpu.memory_space<vmem>> -> memref<128xi32, #tpu.memory_space<vmem>>
    %dma_wait3A_45 = arith.constant 0 : i32
    %dma_wait3A_46 = arith.constant 0 : i32
    %dma_wait3A_47 = tpu.memref_slice %arg3[%dma_wait3A_45, %dma_wait3A_46] : memref<100000x128xf32, #tpu.memory_space<hbm>> -> memref<100000x128xf32, #tpu.memory_space<hbm>>
    tpu.wait_indirect_dma semaphore(%arg8 : memref<!tpu.dma_semaphore, #tpu.memory_space<semaphore_mem>>) src(%dma_wait3A_47 : memref<100000x128xf32, #tpu.memory_space<hbm>>) dst(%arg7 : memref<128x128xf32, #tpu.memory_space<vmem>>)
    %add3A_48 = arith.constant 128 : i32
    %add3A_49 = arith.addi %mul3A_2, %add3A_48 : i32
    %dma_start3A_50 = arith.constant 0 : i32
    %dma_start3A_51 = tpu.memref_slice %arg4[%add3A_49, %dma_start3A_50] : memref<16384x128xf32, #tpu.memory_space<hbm>> -> memref<128x128xf32, #tpu.memory_space<hbm>>
    %dma_start3A_52 = arith.constant 0 : i32
    %dma_start3A_53 = tpu.memref_slice %arg4[%add3A_49, %dma_start3A_52] : memref<16384x128xf32, #tpu.memory_space<hbm>> -> memref<128x128xf32, #tpu.memory_space<hbm>>
    tpu.enqueue_dma source(%arg7 : memref<128x128xf32, #tpu.memory_space<vmem>>) target(%dma_start3A_53 : memref<128x128xf32, #tpu.memory_space<hbm>>) target_semaphore(%arg9 : memref<!tpu.dma_semaphore, #tpu.memory_space<semaphore_mem>>)
    %dma_wait3A_54 = arith.constant 0 : i32
    %dma_wait3A_55 = tpu.memref_slice %arg4[%add3A_49, %dma_wait3A_54] : memref<16384x128xf32, #tpu.memory_space<hbm>> -> memref<128x128xf32, #tpu.memory_space<hbm>>
    %dma_wait3A_56 = arith.constant 0 : i32
    %dma_wait3A_57 = tpu.memref_slice %arg4[%add3A_49, %dma_wait3A_56] : memref<16384x128xf32, #tpu.memory_space<hbm>> -> memref<128x128xf32, #tpu.memory_space<hbm>>
    tpu.wait_dma2 semaphore(%arg9 : memref<!tpu.dma_semaphore, #tpu.memory_space<semaphore_mem>>) src(%arg7 : memref<128x128xf32, #tpu.memory_space<vmem>>) dst(%dma_wait3A_57 : memref<128x128xf32, #tpu.memory_space<hbm>>)
    %dma_start3A_58 = arith.constant 3 : i32
    %dma_start3A_59 = arith.constant 0 : i32
    %dma_start3A_60 = tpu.memref_slice %arg5[%dma_start3A_58, %dma_start3A_59] : memref<4x128xi32, #tpu.memory_space<vmem>> -> memref<1x128xi32, #tpu.memory_space<vmem>>
    %dma_start3A_61 = tpu.memref_squeeze %dma_start3A_60 : memref<1x128xi32, #tpu.memory_space<vmem>> -> memref<128xi32, #tpu.memory_space<vmem>>
    %dma_start3A_62 = arith.constant 0 : i32
    %dma_start3A_63 = arith.constant 0 : i32
    %dma_start3A_64 = tpu.memref_slice %arg3[%dma_start3A_62, %dma_start3A_63] : memref<100000x128xf32, #tpu.memory_space<hbm>> -> memref<100000x128xf32, #tpu.memory_space<hbm>>
    tpu.enqueue_indirect_dma source(%dma_start3A_64 : memref<100000x128xf32, #tpu.memory_space<hbm>>) target(%arg7 : memref<128x128xf32, #tpu.memory_space<vmem>>) offsets(%dma_start3A_61 : memref<128xi32, #tpu.memory_space<vmem>>) semaphore(%arg8 : memref<!tpu.dma_semaphore, #tpu.memory_space<semaphore_mem>>)
    %dma_wait3A_65 = arith.constant 2 : i32
    %dma_wait3A_66 = arith.constant 0 : i32
    %dma_wait3A_67 = tpu.memref_slice %arg5[%dma_wait3A_65, %dma_wait3A_66] : memref<4x128xi32, #tpu.memory_space<vmem>> -> memref<1x128xi32, #tpu.memory_space<vmem>>
    %dma_wait3A_68 = tpu.memref_squeeze %dma_wait3A_67 : memref<1x128xi32, #tpu.memory_space<vmem>> -> memref<128xi32, #tpu.memory_space<vmem>>
    %dma_wait3A_69 = arith.constant 0 : i32
    %dma_wait3A_70 = arith.constant 0 : i32
    %dma_wait3A_71 = tpu.memref_slice %arg3[%dma_wait3A_69, %dma_wait3A_70] : memref<100000x128xf32, #tpu.memory_space<hbm>> -> memref<100000x128xf32, #tpu.memory_space<hbm>>
    tpu.wait_indirect_dma semaphore(%arg8 : memref<!tpu.dma_semaphore, #tpu.memory_space<semaphore_mem>>) src(%dma_wait3A_71 : memref<100000x128xf32, #tpu.memory_space<hbm>>) dst(%arg6 : memref<128x128xf32, #tpu.memory_space<vmem>>)
    %add3A_72 = arith.constant 256 : i32
    %add3A_73 = arith.addi %mul3A_2, %add3A_72 : i32
    %dma_start3A_74 = arith.constant 0 : i32
    %dma_start3A_75 = tpu.memref_slice %arg4[%add3A_73, %dma_start3A_74] : memref<16384x128xf32, #tpu.memory_space<hbm>> -> memref<128x128xf32, #tpu.memory_space<hbm>>
    %dma_start3A_76 = arith.constant 0 : i32
    %dma_start3A_77 = tpu.memref_slice %arg4[%add3A_73, %dma_start3A_76] : memref<16384x128xf32, #tpu.memory_space<hbm>> -> memref<128x128xf32, #tpu.memory_space<hbm>>
    tpu.enqueue_dma source(%arg6 : memref<128x128xf32, #tpu.memory_space<vmem>>) target(%dma_start3A_77 : memref<128x128xf32, #tpu.memory_space<hbm>>) target_semaphore(%arg9 : memref<!tpu.dma_semaphore, #tpu.memory_space<semaphore_mem>>)
    %dma_wait3A_78 = arith.constant 3 : i32
    %dma_wait3A_79 = arith.constant 0 : i32
    %dma_wait3A_80 = tpu.memref_slice %arg5[%dma_wait3A_78, %dma_wait3A_79] : memref<4x128xi32, #tpu.memory_space<vmem>> -> memref<1x128xi32, #tpu.memory_space<vmem>>
    %dma_wait3A_81 = tpu.memref_squeeze %dma_wait3A_80 : memref<1x128xi32, #tpu.memory_space<vmem>> -> memref<128xi32, #tpu.memory_space<vmem>>
    %dma_wait3A_82 = arith.constant 0 : i32
    %dma_wait3A_83 = arith.constant 0 : i32
    %dma_wait3A_84 = tpu.memref_slice %arg3[%dma_wait3A_82, %dma_wait3A_83] : memref<100000x128xf32, #tpu.memory_space<hbm>> -> memref<100000x128xf32, #tpu.memory_space<hbm>>
    tpu.wait_indirect_dma semaphore(%arg8 : memref<!tpu.dma_semaphore, #tpu.memory_space<semaphore_mem>>) src(%dma_wait3A_84 : memref<100000x128xf32, #tpu.memory_space<hbm>>) dst(%arg7 : memref<128x128xf32, #tpu.memory_space<vmem>>)
    %add3A_85 = arith.constant 384 : i32
    %add3A_86 = arith.addi %mul3A_2, %add3A_85 : i32
    %dma_start3A_87 = arith.constant 0 : i32
    %dma_start3A_88 = tpu.memref_slice %arg4[%add3A_86, %dma_start3A_87] : memref<16384x128xf32, #tpu.memory_space<hbm>> -> memref<128x128xf32, #tpu.memory_space<hbm>>
    %dma_start3A_89 = arith.constant 0 : i32
    %dma_start3A_90 = tpu.memref_slice %arg4[%add3A_86, %dma_start3A_89] : memref<16384x128xf32, #tpu.memory_space<hbm>> -> memref<128x128xf32, #tpu.memory_space<hbm>>
    tpu.enqueue_dma source(%arg7 : memref<128x128xf32, #tpu.memory_space<vmem>>) target(%dma_start3A_90 : memref<128x128xf32, #tpu.memory_space<hbm>>) target_semaphore(%arg9 : memref<!tpu.dma_semaphore, #tpu.memory_space<semaphore_mem>>)
    %dma_wait3A_91 = arith.constant 0 : i32
    %dma_wait3A_92 = tpu.memref_slice %arg4[%add3A_73, %dma_wait3A_91] : memref<16384x128xf32, #tpu.memory_space<hbm>> -> memref<128x128xf32, #tpu.memory_space<hbm>>
    %dma_wait3A_93 = arith.constant 0 : i32
    %dma_wait3A_94 = tpu.memref_slice %arg4[%add3A_73, %dma_wait3A_93] : memref<16384x128xf32, #tpu.memory_space<hbm>> -> memref<128x128xf32, #tpu.memory_space<hbm>>
    tpu.wait_dma2 semaphore(%arg9 : memref<!tpu.dma_semaphore, #tpu.memory_space<semaphore_mem>>) src(%arg6 : memref<128x128xf32, #tpu.memory_space<vmem>>) dst(%dma_wait3A_94 : memref<128x128xf32, #tpu.memory_space<hbm>>)
    %dma_wait3A_95 = arith.constant 0 : i32
    %dma_wait3A_96 = tpu.memref_slice %arg4[%add3A_86, %dma_wait3A_95] : memref<16384x128xf32, #tpu.memory_space<hbm>> -> memref<128x128xf32, #tpu.memory_space<hbm>>
    %dma_wait3A_97 = arith.constant 0 : i32
    %dma_wait3A_98 = tpu.memref_slice %arg4[%add3A_86, %dma_wait3A_97] : memref<16384x128xf32, #tpu.memory_space<hbm>> -> memref<128x128xf32, #tpu.memory_space<hbm>>
    tpu.wait_dma2 semaphore(%arg9 : memref<!tpu.dma_semaphore, #tpu.memory_space<semaphore_mem>>) src(%arg7 : memref<128x128xf32, #tpu.memory_space<vmem>>) dst(%dma_wait3A_98 : memref<128x128xf32, #tpu.memory_space<hbm>>)
    return
  }
}

module attributes {stable_mosaic.version = 14 : i64} {
  func.func @_tc_mlp_body(%arg0: i32, %arg1: memref<4096x128xf32, #tpu.memory_space<vmem>>, %arg2: memref<4096x128xf32, #tpu.memory_space<vmem>>, %arg3: memref<64x128xf32, #tpu.memory_space<vmem>>, %arg4: memref<64x128xf32, #tpu.memory_space<vmem>>, %arg5: memref<1x128xf32, #tpu.memory_space<vmem>>, %arg6: memref<128x64xf32, #tpu.memory_space<vmem>>, %arg7: memref<1x64xf32, #tpu.memory_space<vmem>>, %arg8: memref<64x32xf32, #tpu.memory_space<vmem>>, %arg9: memref<1x32xf32, #tpu.memory_space<vmem>>, %arg10: memref<64x1xf32, #tpu.memory_space<vmem>>, %arg11: memref<32x1xf32, #tpu.memory_space<vmem>>, %arg12: memref<1x1xf32, #tpu.memory_space<vmem>>, %arg13: memref<4096x1xf32, #tpu.memory_space<vmem>>) attributes {dimension_semantics = [#tpu.dimension_semantics<arbitrary>], iteration_bounds = array<i64: 4>, scalar_prefetch = 0 : i64, scratch_operands = 0 : i64, tpu.core_type = #tpu.core_type<tc>, window_params = [{transform_indices = @transform_0, window_bounds = array<i64: 4096, 128>}, {transform_indices = @transform_1, window_bounds = array<i64: 4096, 128>}, {pipeline_mode = #tpu.pipeline_mode<synchronous>, transform_indices = @transform_2, window_bounds = array<i64: 64, 128>}, {pipeline_mode = #tpu.pipeline_mode<synchronous>, transform_indices = @transform_3, window_bounds = array<i64: 64, 128>}, {pipeline_mode = #tpu.pipeline_mode<synchronous>, transform_indices = @transform_4, window_bounds = array<i64: 1, 128>}, {pipeline_mode = #tpu.pipeline_mode<synchronous>, transform_indices = @transform_5, window_bounds = array<i64: 128, 64>}, {pipeline_mode = #tpu.pipeline_mode<synchronous>, transform_indices = @transform_6, window_bounds = array<i64: 1, 64>}, {pipeline_mode = #tpu.pipeline_mode<synchronous>, transform_indices = @transform_7, window_bounds = array<i64: 64, 32>}, {pipeline_mode = #tpu.pipeline_mode<synchronous>, transform_indices = @transform_8, window_bounds = array<i64: 1, 32>}, {pipeline_mode = #tpu.pipeline_mode<synchronous>, transform_indices = @transform_9, window_bounds = array<i64: 64, 1>}, {pipeline_mode = #tpu.pipeline_mode<synchronous>, transform_indices = @transform_10, window_bounds = array<i64: 32, 1>}, {pipeline_mode = #tpu.pipeline_mode<synchronous>, transform_indices = @transform_11, window_bounds = array<i64: 1, 1>}, {transform_indices = @transform_12, window_bounds = array<i64: 4096, 1>}]} {
    %get3A = arith.constant 0 : index
    %get3A_0 = arith.constant 0 : index
    %get3A_1 = vector.load %arg1[%get3A, %get3A_0] : memref<4096x128xf32, #tpu.memory_space<vmem>>, vector<4096x128xf32>
    %get3A_2 = arith.constant 0 : index
    %get3A_3 = arith.constant 0 : index
    %get3A_4 = vector.load %arg2[%get3A_2, %get3A_3] : memref<4096x128xf32, #tpu.memory_space<vmem>>, vector<4096x128xf32>
    %slice3A = vector.extract_strided_slice %get3A_1 {offsets = [0, 0], sizes = [4096, 64], strides = [1, 1]} : vector<4096x128xf32> to vector<4096x64xf32>
    %slice3A_5 = vector.extract_strided_slice %get3A_4 {offsets = [0, 0], sizes = [4096, 64], strides = [1, 1]} : vector<4096x128xf32> to vector<4096x64xf32>
    %mul3A = arith.mulf %slice3A, %slice3A_5 : vector<4096x64xf32>
    %get3A_6 = arith.constant 0 : index
    %get3A_7 = arith.constant 0 : index
    %get3A_8 = vector.load %arg10[%get3A_6, %get3A_7] : memref<64x1xf32, #tpu.memory_space<vmem>>, vector<64x1xf32>
    %dot_general3A = arith.constant dense<0.000000e+00> : vector<4096x1xf32>
    %dot_general3A_9 = tpu.matmul %mul3A, %get3A_8, %dot_general3A {dimension_numbers = #tpu.dot_dimension_numbers<[1], [0], [0], [1], [0, 0, 1, 1], [], []>, transpose_lhs_hint = false} : vector<4096x64xf32>, vector<64x1xf32>, vector<4096x1xf32> -> vector<4096x1xf32>
    %slice3A_10 = vector.extract_strided_slice %get3A_1 {offsets = [0, 64], sizes = [4096, 64], strides = [1, 1]} : vector<4096x128xf32> to vector<4096x64xf32>
    %get3A_11 = arith.constant 0 : index
    %get3A_12 = arith.constant 0 : index
    %get3A_13 = vector.load %arg3[%get3A_11, %get3A_12] : memref<64x128xf32, #tpu.memory_space<vmem>>, vector<64x128xf32>
    %dot_general3A_14 = arith.constant dense<0.000000e+00> : vector<4096x128xf32>
    %dot_general3A_15 = tpu.matmul %slice3A_10, %get3A_13, %dot_general3A_14 {dimension_numbers = #tpu.dot_dimension_numbers<[1], [0], [0], [1], [0, 0, 1, 1], [], []>, transpose_lhs_hint = false} : vector<4096x64xf32>, vector<64x128xf32>, vector<4096x128xf32> -> vector<4096x128xf32>
    %slice3A_16 = vector.extract_strided_slice %get3A_4 {offsets = [0, 64], sizes = [4096, 64], strides = [1, 1]} : vector<4096x128xf32> to vector<4096x64xf32>
    %get3A_17 = arith.constant 0 : index
    %get3A_18 = arith.constant 0 : index
    %get3A_19 = vector.load %arg4[%get3A_17, %get3A_18] : memref<64x128xf32, #tpu.memory_space<vmem>>, vector<64x128xf32>
    %dot_general3A_20 = arith.constant dense<0.000000e+00> : vector<4096x128xf32>
    %dot_general3A_21 = tpu.matmul %slice3A_16, %get3A_19, %dot_general3A_20 {dimension_numbers = #tpu.dot_dimension_numbers<[1], [0], [0], [1], [0, 0, 1, 1], [], []>, transpose_lhs_hint = false} : vector<4096x64xf32>, vector<64x128xf32>, vector<4096x128xf32> -> vector<4096x128xf32>
    %add3A = arith.addf %dot_general3A_15, %dot_general3A_21 : vector<4096x128xf32>
    %get3A_22 = arith.constant 0 : index
    %get3A_23 = arith.constant 0 : index
    %get3A_24 = vector.load %arg5[%get3A_22, %get3A_23] : memref<1x128xf32, #tpu.memory_space<vmem>>, vector<1x128xf32>
    %add3A_25 = vector.broadcast %get3A_24 : vector<1x128xf32> to vector<4096x128xf32>
    %add3A_26 = arith.addf %add3A, %add3A_25 : vector<4096x128xf32>
    %max3A = arith.constant 0.000000e+00 : f32
    %max3A_27 = vector.broadcast %max3A : f32 to vector<4096x128xf32>
    %max3A_28 = arith.maximumf %add3A_26, %max3A_27 : vector<4096x128xf32>
    %get3A_29 = arith.constant 0 : index
    %get3A_30 = arith.constant 0 : index
    %get3A_31 = vector.load %arg6[%get3A_29, %get3A_30] : memref<128x64xf32, #tpu.memory_space<vmem>>, vector<128x64xf32>
    %dot_general3A_32 = arith.constant dense<0.000000e+00> : vector<4096x64xf32>
    %dot_general3A_33 = tpu.matmul %max3A_28, %get3A_31, %dot_general3A_32 {dimension_numbers = #tpu.dot_dimension_numbers<[1], [0], [0], [1], [0, 0, 1, 1], [], []>, transpose_lhs_hint = false} : vector<4096x128xf32>, vector<128x64xf32>, vector<4096x64xf32> -> vector<4096x64xf32>
    %get3A_34 = arith.constant 0 : index
    %get3A_35 = arith.constant 0 : index
    %get3A_36 = vector.load %arg7[%get3A_34, %get3A_35] : memref<1x64xf32, #tpu.memory_space<vmem>>, vector<1x64xf32>
    %add3A_37 = vector.broadcast %get3A_36 : vector<1x64xf32> to vector<4096x64xf32>
    %add3A_38 = arith.addf %dot_general3A_33, %add3A_37 : vector<4096x64xf32>
    %max3A_39 = arith.constant 0.000000e+00 : f32
    %max3A_40 = vector.broadcast %max3A_39 : f32 to vector<4096x64xf32>
    %max3A_41 = arith.maximumf %add3A_38, %max3A_40 : vector<4096x64xf32>
    %get3A_42 = arith.constant 0 : index
    %get3A_43 = arith.constant 0 : index
    %get3A_44 = vector.load %arg8[%get3A_42, %get3A_43] : memref<64x32xf32, #tpu.memory_space<vmem>>, vector<64x32xf32>
    %dot_general3A_45 = arith.constant dense<0.000000e+00> : vector<4096x32xf32>
    %dot_general3A_46 = tpu.matmul %max3A_41, %get3A_44, %dot_general3A_45 {dimension_numbers = #tpu.dot_dimension_numbers<[1], [0], [0], [1], [0, 0, 1, 1], [], []>, transpose_lhs_hint = false} : vector<4096x64xf32>, vector<64x32xf32>, vector<4096x32xf32> -> vector<4096x32xf32>
    %get3A_47 = arith.constant 0 : index
    %get3A_48 = arith.constant 0 : index
    %get3A_49 = vector.load %arg9[%get3A_47, %get3A_48] : memref<1x32xf32, #tpu.memory_space<vmem>>, vector<1x32xf32>
    %add3A_50 = vector.broadcast %get3A_49 : vector<1x32xf32> to vector<4096x32xf32>
    %add3A_51 = arith.addf %dot_general3A_46, %add3A_50 : vector<4096x32xf32>
    %max3A_52 = arith.constant 0.000000e+00 : f32
    %max3A_53 = vector.broadcast %max3A_52 : f32 to vector<4096x32xf32>
    %max3A_54 = arith.maximumf %add3A_51, %max3A_53 : vector<4096x32xf32>
    %get3A_55 = arith.constant 0 : index
    %get3A_56 = arith.constant 0 : index
    %get3A_57 = vector.load %arg11[%get3A_55, %get3A_56] : memref<32x1xf32, #tpu.memory_space<vmem>>, vector<32x1xf32>
    %dot_general3A_58 = arith.constant dense<0.000000e+00> : vector<4096x1xf32>
    %dot_general3A_59 = tpu.matmul %max3A_54, %get3A_57, %dot_general3A_58 {dimension_numbers = #tpu.dot_dimension_numbers<[1], [0], [0], [1], [0, 0, 1, 1], [], []>, transpose_lhs_hint = false} : vector<4096x32xf32>, vector<32x1xf32>, vector<4096x1xf32> -> vector<4096x1xf32>
    %add3A_60 = arith.addf %dot_general3A_9, %dot_general3A_59 : vector<4096x1xf32>
    %get3A_61 = arith.constant 0 : index
    %get3A_62 = arith.constant 0 : index
    %get3A_63 = vector.load %arg12[%get3A_61, %get3A_62] : memref<1x1xf32, #tpu.memory_space<vmem>>, vector<1x1xf32>
    %get3A_64 = vector.extract %get3A_63[0, 0] : f32 from vector<1x1xf32>
    %add3A_65 = vector.broadcast %get3A_64 : f32 to vector<4096x1xf32>
    %add3A_66 = arith.addf %add3A_60, %add3A_65 : vector<4096x1xf32>
    %swap3A = arith.constant 0 : index
    %swap3A_67 = arith.constant 0 : index
    %swap3A_68 = vector.load %arg13[%swap3A, %swap3A_67] : memref<4096x1xf32, #tpu.memory_space<vmem>>, vector<4096x1xf32>
    tpu.vector_store %arg13[%swap3A, %swap3A_67], %add3A_66 {strides = array<i32>} : memref<4096x1xf32, #tpu.memory_space<vmem>>, vector<4096x1xf32>,
    return
  }
  func.func @transform_0(%arg0: i32) -> (i32, i32) {
    %c0_i32 = arith.constant 0 : i32
    %c0_i32_0 = arith.constant 0 : i32
    return %arg0, %c0_i32 : i32, i32
  }
  func.func @transform_1(%arg0: i32) -> (i32, i32) {
    %c0_i32 = arith.constant 0 : i32
    %c0_i32_0 = arith.constant 0 : i32
    return %arg0, %c0_i32 : i32, i32
  }
  func.func @transform_2(%arg0: i32) -> (i32, i32) {
    %c0_i32 = arith.constant 0 : i32
    %c0_i32_0 = arith.constant 0 : i32
    %c0_i32_1 = arith.constant 0 : i32
    return %c0_i32, %c0_i32_0 : i32, i32
  }
  func.func @transform_3(%arg0: i32) -> (i32, i32) {
    %c0_i32 = arith.constant 0 : i32
    %c0_i32_0 = arith.constant 0 : i32
    %c0_i32_1 = arith.constant 0 : i32
    return %c0_i32, %c0_i32_0 : i32, i32
  }
  func.func @transform_4(%arg0: i32) -> (i32, i32) {
    %c0_i32 = arith.constant 0 : i32
    %c0_i32_0 = arith.constant 0 : i32
    %c0_i32_1 = arith.constant 0 : i32
    return %c0_i32, %c0_i32_0 : i32, i32
  }
  func.func @transform_5(%arg0: i32) -> (i32, i32) {
    %c0_i32 = arith.constant 0 : i32
    %c0_i32_0 = arith.constant 0 : i32
    %c0_i32_1 = arith.constant 0 : i32
    return %c0_i32, %c0_i32_0 : i32, i32
  }
  func.func @transform_6(%arg0: i32) -> (i32, i32) {
    %c0_i32 = arith.constant 0 : i32
    %c0_i32_0 = arith.constant 0 : i32
    %c0_i32_1 = arith.constant 0 : i32
    return %c0_i32, %c0_i32_0 : i32, i32
  }
  func.func @transform_7(%arg0: i32) -> (i32, i32) {
    %c0_i32 = arith.constant 0 : i32
    %c0_i32_0 = arith.constant 0 : i32
    %c0_i32_1 = arith.constant 0 : i32
    return %c0_i32, %c0_i32_0 : i32, i32
  }
  func.func @transform_8(%arg0: i32) -> (i32, i32) {
    %c0_i32 = arith.constant 0 : i32
    %c0_i32_0 = arith.constant 0 : i32
    %c0_i32_1 = arith.constant 0 : i32
    return %c0_i32, %c0_i32_0 : i32, i32
  }
  func.func @transform_9(%arg0: i32) -> (i32, i32) {
    %c0_i32 = arith.constant 0 : i32
    %c0_i32_0 = arith.constant 0 : i32
    %c0_i32_1 = arith.constant 0 : i32
    return %c0_i32, %c0_i32_0 : i32, i32
  }
  func.func @transform_10(%arg0: i32) -> (i32, i32) {
    %c0_i32 = arith.constant 0 : i32
    %c0_i32_0 = arith.constant 0 : i32
    %c0_i32_1 = arith.constant 0 : i32
    return %c0_i32, %c0_i32_0 : i32, i32
  }
  func.func @transform_11(%arg0: i32) -> (i32, i32) {
    %c0_i32 = arith.constant 0 : i32
    %c0_i32_0 = arith.constant 0 : i32
    %c0_i32_1 = arith.constant 0 : i32
    return %c0_i32, %c0_i32_0 : i32, i32
  }
  func.func @transform_12(%arg0: i32) -> (i32, i32) {
    %c0_i32 = arith.constant 0 : i32
    %c0_i32_0 = arith.constant 0 : i32
    return %arg0, %c0_i32 : i32, i32
  }
}

</mosaic_0001>

<sc_bundles>
// kernel: kernel.5.cloned.1.call-start
scs
__scs_entry_jumppad:
0x0: {  	(pc) =	sbr.rel $0x88, $3  }
0x1: {  	(tag) =	ssettag $0x0;
	lr =	simm.s32 $0x1  }
0x2: {  	[smem:$0x3F93] =	sst lr;
	_ =	strace $0xD0000000  }
0x3: {  	_ = 	snop  }
0x4: {  	_ = 	snop  }
0x5: {  	_ = 	snop  }
0x6: {  	_ = 	snop  }
0x7: {  	_ = 	snop  }
__scs_overlays_trampoline_lowered:
0x8: {  	[smem:$0x3FA2] =	sst s0  }
0x9: {  	[smem:$0x3FA3] =	sst s1  }
0xa: {  	[smem:$0x3FA4] =	sst s2  }
0xb: {  	[smem:$0x3FA5] =	sst s3  }
0xc: {  	[smem:$0x3FA6] =	sst s4  }
0xd: {  	[smem:$0x3FA7] =	sst s5  }
0xe: {  	[smem:$0x3FA8] =	sst s6  }
0xf: {  	[smem:$0x3FA9] =	sst s7  }
0x10: {  	[smem:$0x3FAA] =	sst s8  }
0x11: {  	[smem:$0x3FAB] =	sst s9;
	s0 =	simm.s32 @!p0 $0x0  }
0x12: {  	s1 =	sld [smem:$0x3F91];
	s0 =	simm.s32 @p0 $0x1  }
0x13: {  	[smem:$0x3FAC] =	sst s0;
	s0 =	simm.s32 @!p1 $0x0  }
0x14: {  	s2 =	sld [smem:$0x3F90];
	s0 =	simm.s32 @p1 $0x1  }
0x15: {  	[smem:$0x3FAD] =	sst s0;
	s0 =	simm.s32 @!p2 $0x0  }
0x16: {  	s3 =	sld [smem:$0x3FDB];
	s0 =	simm.s32 @p2 $0x1  }
0x17: {  	s4 =	simm.s32 $0x1BF5;
	[smem:$0x3FAF] =	sst s0  }
0x18: {  	s0 =	sld [smem:$0x3F92];
	_ =	swait.ge [sflag:s4], $0x0  }
0x19: {  	s7 =	sld [smem:$0x3F93]  }
0x1a: {  	s8 =	sadd.s32 $0xFFFFE003, lr  }
0x1b: {  	s9 =	sadd.s32 $0xFFFFFEF7, lr;
	s5 =	simm.s32 $0xFFFFFFFF;
	p2 =	slt.u32 s8, $0xFFFFF086  }
0x1c: {  	p1 =	slt.u32 s9, $0xF7A;
	s5 =	simm.s32 @!p2 $0x0  }
0x1d: {  	s5 =	simm.s32 @p1 $0x1;
	p0 =	seq.s32 s7, s2  }
0x1e: {  	s7 =	smul.u32 @!p0 $0xF7A, s2;
	p2 =	seq.s32 @!p0 s5, $0x0  }
0x1f: {  	s9 =	smul.u32 $0xF7A, s1;
	s8 =	simm.s32 @!p0 $0x1BF5;
	p2 =	por !p2, p0  }
0x20: {  	[sflag:s8] =	ssyncset.s32 @!p0 $0xFFFFF086;
	s6 =	sadd.s32 @!p0 s3, s7;
	s7 =	simm.s32 @!p0 $0x108  }
0x21: {  	s3 =	sadd.s32 s3, s9;
	s6 =	sadd.s32 @!p0 $0x88, s6;
	s7 =	simm.s32 @p2 $0x1082  }
0x22: {  	[simem:s7], [sflag:s8] =	dma.local @!p0 [hbm:s6], $0xF7A  }
0x23: {  	s9 =	sor.u32 $0xD0000000, s2;
	s6 =	simm.s32 $0x108;
	_ =	swait.ge @!p0 [sflag:s8], $0x0  }
0x24: {  	s3 =	sadd.s32 $0x88, s3;
	s6 =	simm.s32 @!p1 $0x1082;
	[sflag:s4] =	ssyncset.s32 $0xFFFFF086  }
0x25: {  	[simem:s6], [sflag:s4] =	dma.local [hbm:s3], $0xF7A  }
0x26: {  	[smem:$0x3F93] =	sst s1;
	(tag) =	ssettag s2;
	_ =	strace s9  }
0x27: {  	s1 =	sld [smem:$0x3FA3]  }
0x28: {  	s2 =	sld [smem:$0x3FA4]  }
0x29: {  	s4 =	sld [smem:$0x3FA6]  }
0x2a: {  	p0 =	seq.s32 s5, $0x0;
	s5 =	sld [smem:$0x3FA7]  }
0x2b: {  	s6 =	sld [smem:$0x3FA8]  }
0x2c: {  	s7 =	sld [smem:$0x3FA9]  }
0x2d: {  	s3 =	simm.s32 $0x108;
	s8 =	sld [smem:$0x3FAA]  }
0x2e: {  	s3 =	simm.s32 @!p0 $0x1082;
	s9 =	sld [smem:$0x3FAB]  }
0x2f: {  	lr =	sadd.s32 s0, s3;
	s0 =	sld [smem:$0x3FA2]  }
0x30: {  	s3 =	sld [smem:$0x3FA5]  }
0x31: {  	[smem:$0x3FAE] =	sst s10  }
0x32: {  	s10 =	sld [smem:$0x3FAC];
	_ =	sdelay $0x3  }
0x33: {  	p0 =	seq.s32 s10, $0x1;
	s10 =	sld [smem:$0x3FAE];
	_ =	sdelay $0x3  }
0x34: {  	[smem:$0x3FAE] =	sst s10  }
0x35: {  	s10 =	sld [smem:$0x3FAD];
	_ =	sdelay $0x3  }
0x36: {  	p1 =	seq.s32 s10, $0x1;
	s10 =	sld [smem:$0x3FAE];
	_ =	sdelay $0x3  }
0x37: {  	[smem:$0x3FAE] =	sst s10  }
0x38: {  	s10 =	sld [smem:$0x3FAF]  }
0x39: {  	_ = 	snop;
	(pc) =	sbr.ind lr, $3  }
0x3a: {  	_ = 	snop  }
0x3b: {  	_ = 	snop  }
0x3c: {  	p2 =	seq.s32 s10, $0x1;
	s10 =	sld [smem:$0x3FAE]  }
0x3d: {  	_ =	shalt  }
0x3e: {  	_ =	shalt  }
0x3f: {  	_ =	shalt  }
0x40: {  	_ =	shalt  }
0x41: {  	_ =	shalt  }
0x42: {  	_ =	shalt  }
0x43: {  	_ =	shalt  }
0x44: {  	_ =	shalt  }
0x45: {  	_ =	shalt  }
0x46: {  	_ =	shalt  }
0x47: {  	_ =	shalt  }
0x48: {  	_ =	shalt  }
0x49: {  	_ =	shalt  }
0x4a: {  	_ =	shalt  }
0x4b: {  	_ =	shalt  }
0x4c: {  	_ =	shalt  }
0x4d: {  	_ =	shalt  }
0x4e: {  	_ =	shalt  }
0x4f: {  	_ =	shalt  }
0x50: {  	_ =	shalt  }
0x51: {  	_ =	shalt  }
0x52: {  	_ =	shalt  }
0x53: {  	_ =	shalt  }
0x54: {  	_ =	shalt  }
0x55: {  	_ =	shalt  }
0x56: {  	_ =	shalt  }
0x57: {  	_ =	shalt  }
0x58: {  	_ =	shalt  }
0x59: {  	_ =	shalt  }
0x5a: {  	_ =	shalt  }
0x5b: {  	_ =	shalt  }
0x5c: {  	_ =	shalt  }
0x5d: {  	_ =	shalt  }
0x5e: {  	_ =	shalt  }
0x5f: {  	_ =	shalt  }
0x60: {  	_ =	shalt  }
0x61: {  	_ =	shalt  }
0x62: {  	_ =	shalt  }
0x63: {  	_ =	shalt  }
0x64: {  	_ =	shalt  }
0x65: {  	_ =	shalt  }
0x66: {  	_ =	shalt  }
0x67: {  	_ =	shalt  }
0x68: {  	_ =	shalt  }
0x69: {  	_ =	shalt  }
0x6a: {  	_ =	shalt  }
0x6b: {  	_ =	shalt  }
0x6c: {  	_ =	shalt  }
0x6d: {  	_ =	shalt  }
0x6e: {  	_ =	shalt  }
0x6f: {  	_ =	shalt  }
0x70: {  	_ =	shalt  }
0x71: {  	_ =	shalt  }
0x72: {  	_ =	shalt  }
0x73: {  	_ =	shalt  }
0x74: {  	_ =	shalt  }
0x75: {  	_ =	shalt  }
0x76: {  	_ =	shalt  }
0x77: {  	_ =	shalt  }
0x78: {  	_ =	shalt  }
0x79: {  	_ =	shalt  }
0x7a: {  	_ =	shalt  }
0x7b: {  	_ =	shalt  }
0x7c: {  	_ =	shalt  }
0x7d: {  	_ =	shalt  }
0x7e: {  	_ =	shalt  }
0x7f: {  	_ =	shalt  }
0x80: {  	_ =	shalt  }
0x81: {  	_ =	shalt  }
0x82: {  	_ =	shalt  }
0x83: {  	_ =	shalt  }
0x84: {  	_ =	shalt  }
0x85: {  	_ =	shalt  }
0x86: {  	_ =	shalt  }
0x87: {  	_ =	shalt  }
.Lfunc_end0:
.L_simem_size_0:
called_computation_lowered:
.L_overlay_start_0:
0x88: {  	s2 =	sld [smem:$0x3FD9]  }
0x89: {  	s3 =	sld [smem:$0x3FFE];
	_ =	sdelay $0x1  }
0x8a: {  	s1 =	srdreg.scid  }
0x8b: {  	s0 =	sand.u32 $0x1, s1  }
0x8c: {  	s17 =	sshll.u32 s0, $0xA;
	s2 =	sadd.s32 s3, s2  }
0x8d: {  	s2 =	sadd.s32 s2, s17  }
0x8e: {  	[smem:$0x3FBA] =	sst s2  }
0x8f: {  	_ = 	snop  }
0x90: {  	s2 =	sld [smem:$0x3FC9];
	(tm) =	ssettm $0x1  }
0x91: {  	s18 =	sld [smem:$0x3FFB];
	_ =	sdelay $0x3  }
0x92: {  	_ =	strace s18  }
0x93: {  	s3 =	sld [smem:$0x3FFC];
	_ =	sdelay $0x3  }
0x94: {  	_ =	strace s3  }
0x95: {  	s3 =	sld [smem:$0x3FFD];
	_ =	sdelay $0x3  }
0x96: {  	_ =	strace s3  }
0x97: {  	_ =	strace $0x8FFFFFFF  }
0x98: {  	s19 =	sld [smem:$0x3FDB];
	_ =	sdelay $0x1  }
0x99: {  	s4 =	simm.s32 $_scs_section_size  }
0x9a: {  	s5 =	simm.s32 $_size__tile_overlayer_lowered;
	s6 =	simm.s32 $_tile_overlayer_lowered  }
0x9b: {  	s22 =	simm.s32 $0x1BFF;
	s21 =	sshll.u32 s6, $0x1;
	s3 =	sadd.s32 s4, s19  }
0x9c: {  	s7 =	simm.s32 $0x0;
	s20 =	sshll.u32 s5, $0x1;
	s5 =	sadd.s32 s21, s3  }
0x9d: {  	[timem:s7], [sflag:s22] =	dma.local [hbm:s5], s20  }
0x9e: {  	_ =	swait.ge [sflag:s22], s20  }
0x9f: {  	s4 =	ssub.s32 $0x0, s20;
	[sflag:s22] =	ssyncset.done $0x0  }
0xa0: {  	[sflag:s22] =	ssyncadd.s32 s4;
	_ =	sdelay $0x1  }
0xa1: {  	s23 =	simm.s32 $0x1B8B  }
0xa2: {  	_ =	swait.ge [sflag:s23], $0x1  }
0xa3: {  	[sflag:s23] =	ssyncset.done $0x0  }
0xa4: {  	s25 =	simm.s32 $0x1B8E;
	s24 =	sld [smem:$0x3FFE];
	[sflag:s23] =	ssyncadd.s32 $0xFFFFFFFF  }
0xa5: {  	s26 =	simm.s32 $execute0_lowered;
	[smem:$0x3FD2] =	sst s25  }
0xa6: {  	s5 =	sshll.u32 s26, $0x1;
	_ =	strace $0x80000046;
	[dreg:$0x1] =	wrdreg $0xFFFFFFFF  }
0xa7: {  	s28 =	simm.s32 $_size_execute0_lowered;
	s3 =	sadd.s32 s3, s5;
	[dreg:$0x0] =	wrdreg $0x0  }
0xa8: {  	s5 =	sshll.u32 s28, $0x1;
	[dreg:$0x2] =	wrdreg s3  }
0xa9: {  	[dreg:$0x3] =	wrdreg s5  }
0xaa: {  	[dreg:$0x4] =	wrdreg $0xC0  }
0xab: {  	_ =	task [dreg:s7], $0x5FFFF  }
0xac: {  	[dreg:$0x1] =	wrdreg $0xFFFFFFFF  }
0xad: {  	[dreg:$0x0] =	wrdreg $0x60  }
0xae: {  	[dreg:$0x2] =	wrdreg s2  }
0xaf: {  	[dreg:$0x3] =	wrdreg s24  }
0xb0: {  	[dreg:$0x4] =	wrdreg $0x9  }
0xb1: {  	_ =	task.clear_ibuf [dreg:s7], $0x5FFFF;
	_ =	strace $0x90000046  }
0xb2: {  	s29 =	simm.s32 $0x9;
	_ =	strace $0x80000048  }
0xb3: {  	_ =	swait.ge [sflag:s29], $0x1  }
0xb4: {  	[sflag:s29] =	ssyncadd.s32 $0xFFFFFFFF  }
0xb5: {  	_ =	strace $0x90000048  }
0xb6: {  	_ =	sfence  }
0xb7: {  	s30 =	sld [smem:$0x0];
	_ =	sdelay $0x2  }
0xb8: {  	s31 =	sshll.u32 s1, $0xD;
	s1 =	sshrl.u32 s1, $0x2  }
0xb9: {  	s3 =	sand.u32 $0x4000, s31;
	s1 =	sadd.s32 s1, s30  }
0xba: {  	s0 =	sor.u32 s3, s0;
	s1 =	sshll.u32 s1, $0x11  }
0xbb: {  	s0 =	sor.u32 s1, s0  }
0xbc: {  	s0 =	sadd.s32 $0x8F2B, s0  }
0xbd: {  	[sflag:s0] =	ssyncadd.remote.s32 $0x1  }
0xbe: {  	_ =	sfence.sel $0xFFFF  }
0xbf: {  	[dreg:$0x0] =	wrdreg $0xFFFFFFFF;
	(pc) =	sbr.abs _section_cstart, $3  }
0xc0: {  	[dreg:$0x1] =	wrdreg $0xFFFFFFFF  }
0xc1: {  	_ =	task.clear_ibuf [dreg:s7], $0x2FFFF;
	_ =	strace $0x9FFFFFFF  }
0xc2: {  	(tm) =	ssettm $0x7FFFFFFF  }
0xc3: {  	_ =	shalt  }
tec
execute0_lowered:
.L_overlay_start_1:
0x0: {  	(tag) =	ssettag $0x1  }
0x1: {  	s3 =	rddreg [dreg:$0x0]  }
0x2: {  	s10 =	rddreg [dreg:$0x1];
	s1 =	srdreg.scid  }
0x3: {  	s0 =	rddreg [dreg:$0x2];
	s16 =	sand.u32 $0x1, s1  }
0x4: {  	s2 =	simm.s32 $0x0;
	s1 =	stileid.u32;
	s4 =	sshll.u32 s16, $0x6  }
0x5: {  	[smem:$0x7FF] =	sst s2;
	s5 =	sshll.u32 s1, $0x7;
	s3 =	sadd.s32 s3, s4  }
0x6: {  	_ =	strace $0x80000047;
	s4 =	simm.s32 $0x3;
	s3 =	sadd.s32 s5, s3  }
0x7: {  	[tilespmem:s2], [sflag:$0x3] =	stream.linear.gather [hbm4b:s3+s2], $0x200, $0x38;
	[tilespmem:$0x8200] =	vst v63  }
0x8: {  	_ =	swait.ge [sflag:s4], $0x200  }
0x9: {  	s6 =	simm.s32 $0x80;
	s7 =	simm.s32 $0x200;
	[sflag:s4] =	ssyncset.done $0x0  }
0xa: {  	s8 =	simm.s32 $0x4200;
	s5 =	sadd.s32 $0x312200, s10;
	[sflag:s4] =	ssyncadd.s32 $0xFFFFFE00  }
0xb: {  	[tilespmem:s7], [sflag:$0x1] =	stream.indirect.gather [hbm4b:s5+s6], $0x80, s2, s6, $0xb8;
	[tilespmem:$0x8200] =	vst v63  }
0xc: {  	s9 =	simm.s32 $0x1;
	s11 =	sshll.u32 s1, $0xE;
	s12 =	sshll.u32 s16, $0xD  }
0xd: {  	[tilespmem:s8], [sflag:$0x1] =	stream.indirect.gather [hbm4b:s5+s6], $0x80, s6, s6, $0xb8;
	[tilespmem:$0x8200] =	vst v63  }
0xe: {  	s11 =	sor.u32 s12, s11;
	_ =	swait.ge [sflag:s9], $0x4000  }
0xf: {  	s17 =	sadd.s32 s11, s10;
	[sflag:s9] =	ssyncset.done $0x0  }
0x10: {  	s10 =	simm.s32 $0x2;
	s11 =	sadd.s32 $0x4E00, s17;
	[sflag:s9] =	ssyncadd.s32 $0xFFFFC000  }
0x11: {  	[hbm4b:s11+s2] =	stream.linear.scatter [tilespmem:s7], [sflag:$0x2], $0x4000, $0x38;
	[tilespmem:$0x8200] =	vst v63  }
0x12: {  	_ =	swait.ge [sflag:s10], $0x4000  }
0x13: {  	[sflag:s10] =	ssyncset.done $0x0  }
0x14: {  	s12 =	simm.s32 $0x100;
	[sflag:s10] =	ssyncadd.s32 $0xFFFFC000  }
0x15: {  	[tilespmem:s7], [sflag:$0x1] =	stream.indirect.gather [hbm4b:s5+s6], $0x80, s12, s6, $0xb8;
	[tilespmem:$0x8200] =	vst v63  }
0x16: {  	_ =	swait.ge [sflag:s9], $0x4000  }
0x17: {  	[sflag:s9] =	ssyncset.done $0x0  }
0x18: {  	s13 =	sadd.s32 $0x5600, s17;
	[sflag:s9] =	ssyncadd.s32 $0xFFFFC000  }
0x19: {  	[hbm4b:s13+s2] =	stream.linear.scatter [tilespmem:s8], [sflag:$0x2], $0x4000, $0x38;
	[tilespmem:$0x8200] =	vst v63  }
0x1a: {  	_ =	swait.ge [sflag:s10], $0x4000  }
0x1b: {  	[sflag:s10] =	ssyncset.done $0x0  }
0x1c: {  	s14 =	simm.s32 $0x180;
	[sflag:s10] =	ssyncadd.s32 $0xFFFFC000  }
0x1d: {  	[tilespmem:s8], [sflag:$0x1] =	stream.indirect.gather [hbm4b:s5+s6], $0x80, s14, s6, $0xb8;
	[tilespmem:$0x8200] =	vst v63  }
0x1e: {  	_ =	swait.ge [sflag:s9], $0x4000  }
0x1f: {  	s18 =	ssub.s32 $0x2, s16;
	[sflag:s9] =	ssyncset.done $0x0  }
0x20: {  	s31 =	sshrl.u32 s18, $0x1;
	s15 =	sadd.s32 $0x5E00, s17;
	[sflag:s9] =	ssyncadd.s32 $0xFFFFC000  }
0x21: {  	[hbm4b:s15+s2] =	stream.linear.scatter [tilespmem:s7], [sflag:$0x2], $0x4000, $0x38;
	[tilespmem:$0x8200] =	vst v63  }
0x22: {  	s16 =	sadd.s32 $0x6600, s17;
	s17 =	ssub.s32 s18, s31;
	_ =	swait.ge [sflag:s9], $0x4000  }
0x23: {  	s17 =	smax.u32 s17, $0x1;
	[sflag:s9] =	ssyncset.done $0x0  }
0x24: {  	p0 =	sne.s32 s17, $0x1;
	[sflag:s9] =	ssyncadd.s32 $0xFFFFC000  }
0x25: {  	[hbm4b:s16+s2] =	stream.linear.scatter [tilespmem:s8], [sflag:$0x2], $0x4000, $0x38;
	[tilespmem:$0x8200] =	vst v63  }
.Ltmp0:
0x26: {  	_ =	swait.ge [sflag:s10], $0x4000;
	(pc) =	sbr.rel @!p0 .LBB2_2-.Ltmp0, $4  }
0x27: {  	[sflag:s10] =	ssyncset.done $0x0  }
0x28: {  	[sflag:s10] =	ssyncadd.s32 $0xFFFFC000  }
0x29: {  	_ =	swait.ge [sflag:s10], $0x4000  }
0x2a: {  	s17 =	sadd.s32 $0xFFFFFFFF, s17;
	[sflag:s10] =	ssyncset.done $0x0  }
.LBB2_1:
0x2b: {  	p0 =	sne.s32 s17, $0x1;
	s17 =	sadd.s32 $0xFFFFFFFF, s17;
	[sflag:s10] =	ssyncadd.s32 $0xFFFFC000  }
0x2c: {  	[tilespmem:s2], [sflag:$0x3] =	stream.linear.gather [hbm4b:s3+s2], $0x200, $0x38;
	[tilespmem:$0x8200] =	vst v63  }
0x2d: {  	_ =	swait.ge [sflag:s4], $0x200  }
0x2e: {  	[sflag:s4] =	ssyncset.done $0x0  }
0x2f: {  	[sflag:s4] =	ssyncadd.s32 $0xFFFFFE00  }
0x30: {  	[tilespmem:s7], [sflag:$0x1] =	stream.indirect.gather [hbm4b:s5+s6], $0x80, s2, s6, $0xb8;
	[tilespmem:$0x8200] =	vst v63  }
0x31: {  	_ = 	snop  }
0x32: {  	[tilespmem:s8], [sflag:$0x1] =	stream.indirect.gather [hbm4b:s5+s6], $0x80, s6, s6, $0xb8;
	[tilespmem:$0x8200] =	vst v63  }
0x33: {  	_ =	swait.ge [sflag:s9], $0x4000  }
0x34: {  	[sflag:s9] =	ssyncset.done $0x0  }
0x35: {  	[sflag:s9] =	ssyncadd.s32 $0xFFFFC000  }
0x36: {  	[hbm4b:s11+s2] =	stream.linear.scatter [tilespmem:s7], [sflag:$0x2], $0x4000, $0x38;
	[tilespmem:$0x8200] =	vst v63  }
0x37: {  	_ =	swait.ge [sflag:s10], $0x4000  }
0x38: {  	[sflag:s10] =	ssyncset.done $0x0  }
0x39: {  	[sflag:s10] =	ssyncadd.s32 $0xFFFFC000  }
0x3a: {  	[tilespmem:s7], [sflag:$0x1] =	stream.indirect.gather [hbm4b:s5+s6], $0x80, s12, s6, $0xb8;
	[tilespmem:$0x8200] =	vst v63  }
0x3b: {  	_ =	swait.ge [sflag:s9], $0x4000  }
0x3c: {  	[sflag:s9] =	ssyncset.done $0x0  }
0x3d: {  	[sflag:s9] =	ssyncadd.s32 $0xFFFFC000  }
0x3e: {  	[hbm4b:s13+s2] =	stream.linear.scatter [tilespmem:s8], [sflag:$0x2], $0x4000, $0x38;
	[tilespmem:$0x8200] =	vst v63  }
0x3f: {  	_ =	swait.ge [sflag:s10], $0x4000  }
0x40: {  	[sflag:s10] =	ssyncset.done $0x0  }
0x41: {  	[sflag:s10] =	ssyncadd.s32 $0xFFFFC000  }
0x42: {  	[tilespmem:s8], [sflag:$0x1] =	stream.indirect.gather [hbm4b:s5+s6], $0x80, s14, s6, $0xb8;
	[tilespmem:$0x8200] =	vst v63  }
0x43: {  	_ =	swait.ge [sflag:s9], $0x4000  }
0x44: {  	[sflag:s9] =	ssyncset.done $0x0  }
0x45: {  	[sflag:s9] =	ssyncadd.s32 $0xFFFFC000  }
0x46: {  	[hbm4b:s15+s2] =	stream.linear.scatter [tilespmem:s7], [sflag:$0x2], $0x4000, $0x38;
	[tilespmem:$0x8200] =	vst v63  }
0x47: {  	_ =	swait.ge [sflag:s9], $0x4000  }
0x48: {  	[sflag:s9] =	ssyncset.done $0x0  }
0x49: {  	[sflag:s9] =	ssyncadd.s32 $0xFFFFC000  }
0x4a: {  	[hbm4b:s16+s2] =	stream.linear.scatter [tilespmem:s8], [sflag:$0x2], $0x4000, $0x38;
	[tilespmem:$0x8200] =	vst v63  }
.Ltmp1:
0x4b: {  	_ =	swait.ge [sflag:s10], $0x4000;
	(pc) =	sbr.rel @p0 .LBB2_1-.Ltmp1, $4  }
0x4c: {  	[sflag:s10] =	ssyncset.done $0x0  }
0x4d: {  	[sflag:s10] =	ssyncadd.s32 $0xFFFFC000  }
0x4e: {  	_ =	swait.ge [sflag:s10], $0x4000  }
0x4f: {  	[sflag:s10] =	ssyncset.done $0x0  }
.LBB2_2:
0x50: {  	[sflag:s10] =	ssyncadd.s32 $0xFFFFC000  }
0x51: {  	_ =	sfence.sel $0x180000  }
0x52: {  	[bflag:$0x0] =	sbarrier.arrive $0xFFFF  }
0x53: {  	p0 =	sne.s32 s1, $0x0;
	_ =	strace $0x90000047  }
0x54: {  	s0 =	sadd.s32 @!p0 $0x100000, s0;
	[bflag:$0x2] =	sbarrier.arrive $0xFFFF  }
0x55: {  	[sflag:s0] =	ssyncadd.tile.s32 @!p0 $0x1;
	_ =	shalt  }
.Lfunc_end2:
_tile_overlayer_lowered:
.L_overlay_start_2:
0x56: {  	(tag) =	ssettag $0x2  }
0x57: {  	s0 =	rddreg [dreg:$0x0];
	s2 =	stileid.u32  }
0x58: {  	s1 =	rddreg [dreg:$0x1];
	p0 =	sne.s32 s2, $0x0  }
0x59: {  	s3 =	rddreg [dreg:$0x2];
	[bflag:$0x3] =	sbarrier.arrive $0xFFFF;
	s2 =	simm.s32 @!p0 $0x1C03  }
0x5a: {  	[timem:s3], [sflag:s2] =	dma.local @!p0 [hbm:s0], s1  }
0x5b: {  	s0 =	simm.s32 @!p0 $0x3  }
0x5c: {  	_ =	swait.ge @!p0 [sflag:s0], s1  }
0x5d: {  	s1 =	ssub.s32 @!p0 $0x0, s1;
	[sflag:s0] =	ssyncset.done @!p0 $0x0  }
0x5e: {  	[sflag:s0] =	ssyncadd.s32 @!p0 s1  }
0x5f: {  	[bflag:$0x3] =	sbarrier.arrive $0xFFFF  }
0x60: {  	_ =	shalt  }

// kernel: kernel.8.cloned.1.call-start
scs
__scs_entry_jumppad:
0x0: {  	(pc) =	sbr.rel $0x88, $3  }
0x1: {  	(tag) =	ssettag $0x0;
	lr =	simm.s32 $0x1  }
0x2: {  	[smem:$0x3F93] =	sst lr;
	_ =	strace $0xD0000000  }
0x3: {  	_ = 	snop  }
0x4: {  	_ = 	snop  }
0x5: {  	_ = 	snop  }
0x6: {  	_ = 	snop  }
0x7: {  	_ = 	snop  }
__scs_overlays_trampoline_lowered:
0x8: {  	[smem:$0x3FA2] =	sst s0  }
0x9: {  	[smem:$0x3FA3] =	sst s1  }
0xa: {  	[smem:$0x3FA4] =	sst s2  }
0xb: {  	[smem:$0x3FA5] =	sst s3  }
0xc: {  	[smem:$0x3FA6] =	sst s4  }
0xd: {  	[smem:$0x3FA7] =	sst s5  }
0xe: {  	[smem:$0x3FA8] =	sst s6  }
0xf: {  	[smem:$0x3FA9] =	sst s7  }
0x10: {  	[smem:$0x3FAA] =	sst s8  }
0x11: {  	[smem:$0x3FAB] =	sst s9;
	s0 =	simm.s32 @!p0 $0x0  }
0x12: {  	s1 =	sld [smem:$0x3F91];
	s0 =	simm.s32 @p0 $0x1  }
0x13: {  	[smem:$0x3FAC] =	sst s0;
	s0 =	simm.s32 @!p1 $0x0  }
0x14: {  	s2 =	sld [smem:$0x3F90];
	s0 =	simm.s32 @p1 $0x1  }
0x15: {  	[smem:$0x3FAD] =	sst s0;
	s0 =	simm.s32 @!p2 $0x0  }
0x16: {  	s3 =	sld [smem:$0x3FDB];
	s0 =	simm.s32 @p2 $0x1  }
0x17: {  	s4 =	simm.s32 $0x1BF5;
	[smem:$0x3FAF] =	sst s0  }
0x18: {  	s0 =	sld [smem:$0x3F92];
	_ =	swait.ge [sflag:s4], $0x0  }
0x19: {  	s7 =	sld [smem:$0x3F93]  }
0x1a: {  	s8 =	sadd.s32 $0xFFFFE003, lr  }
0x1b: {  	s9 =	sadd.s32 $0xFFFFFEF7, lr;
	s5 =	simm.s32 $0xFFFFFFFF;
	p2 =	slt.u32 s8, $0xFFFFF086  }
0x1c: {  	p1 =	slt.u32 s9, $0xF7A;
	s5 =	simm.s32 @!p2 $0x0  }
0x1d: {  	s5 =	simm.s32 @p1 $0x1;
	p0 =	seq.s32 s7, s2  }
0x1e: {  	s7 =	smul.u32 @!p0 $0xF7A, s2;
	p2 =	seq.s32 @!p0 s5, $0x0  }
0x1f: {  	s9 =	smul.u32 $0xF7A, s1;
	s8 =	simm.s32 @!p0 $0x1BF5;
	p2 =	por !p2, p0  }
0x20: {  	[sflag:s8] =	ssyncset.s32 @!p0 $0xFFFFF086;
	s6 =	sadd.s32 @!p0 s3, s7;
	s7 =	simm.s32 @!p0 $0x108  }
0x21: {  	s3 =	sadd.s32 s3, s9;
	s6 =	sadd.s32 @!p0 $0x88, s6;
	s7 =	simm.s32 @p2 $0x1082  }
0x22: {  	[simem:s7], [sflag:s8] =	dma.local @!p0 [hbm:s6], $0xF7A  }
0x23: {  	s9 =	sor.u32 $0xD0000000, s2;
	s6 =	simm.s32 $0x108;
	_ =	swait.ge @!p0 [sflag:s8], $0x0  }
0x24: {  	s3 =	sadd.s32 $0x88, s3;
	s6 =	simm.s32 @!p1 $0x1082;
	[sflag:s4] =	ssyncset.s32 $0xFFFFF086  }
0x25: {  	[simem:s6], [sflag:s4] =	dma.local [hbm:s3], $0xF7A  }
0x26: {  	[smem:$0x3F93] =	sst s1;
	(tag) =	ssettag s2;
	_ =	strace s9  }
0x27: {  	s1 =	sld [smem:$0x3FA3]  }
0x28: {  	s2 =	sld [smem:$0x3FA4]  }
0x29: {  	s4 =	sld [smem:$0x3FA6]  }
0x2a: {  	p0 =	seq.s32 s5, $0x0;
	s5 =	sld [smem:$0x3FA7]  }
0x2b: {  	s6 =	sld [smem:$0x3FA8]  }
0x2c: {  	s7 =	sld [smem:$0x3FA9]  }
0x2d: {  	s3 =	simm.s32 $0x108;
	s8 =	sld [smem:$0x3FAA]  }
0x2e: {  	s3 =	simm.s32 @!p0 $0x1082;
	s9 =	sld [smem:$0x3FAB]  }
0x2f: {  	lr =	sadd.s32 s0, s3;
	s0 =	sld [smem:$0x3FA2]  }
0x30: {  	s3 =	sld [smem:$0x3FA5]  }
0x31: {  	[smem:$0x3FAE] =	sst s10  }
0x32: {  	s10 =	sld [smem:$0x3FAC];
	_ =	sdelay $0x3  }
0x33: {  	p0 =	seq.s32 s10, $0x1;
	s10 =	sld [smem:$0x3FAE];
	_ =	sdelay $0x3  }
0x34: {  	[smem:$0x3FAE] =	sst s10  }
0x35: {  	s10 =	sld [smem:$0x3FAD];
	_ =	sdelay $0x3  }
0x36: {  	p1 =	seq.s32 s10, $0x1;
	s10 =	sld [smem:$0x3FAE];
	_ =	sdelay $0x3  }
0x37: {  	[smem:$0x3FAE] =	sst s10  }
0x38: {  	s10 =	sld [smem:$0x3FAF]  }
0x39: {  	_ = 	snop;
	(pc) =	sbr.ind lr, $3  }
0x3a: {  	_ = 	snop  }
0x3b: {  	_ = 	snop  }
0x3c: {  	p2 =	seq.s32 s10, $0x1;
	s10 =	sld [smem:$0x3FAE]  }
0x3d: {  	_ =	shalt  }
0x3e: {  	_ =	shalt  }
0x3f: {  	_ =	shalt  }
0x40: {  	_ =	shalt  }
0x41: {  	_ =	shalt  }
0x42: {  	_ =	shalt  }
0x43: {  	_ =	shalt  }
0x44: {  	_ =	shalt  }
0x45: {  	_ =	shalt  }
0x46: {  	_ =	shalt  }
0x47: {  	_ =	shalt  }
0x48: {  	_ =	shalt  }
0x49: {  	_ =	shalt  }
0x4a: {  	_ =	shalt  }
0x4b: {  	_ =	shalt  }
0x4c: {  	_ =	shalt  }
0x4d: {  	_ =	shalt  }
0x4e: {  	_ =	shalt  }
0x4f: {  	_ =	shalt  }
0x50: {  	_ =	shalt  }
0x51: {  	_ =	shalt  }
0x52: {  	_ =	shalt  }
0x53: {  	_ =	shalt  }
0x54: {  	_ =	shalt  }
0x55: {  	_ =	shalt  }
0x56: {  	_ =	shalt  }
0x57: {  	_ =	shalt  }
0x58: {  	_ =	shalt  }
0x59: {  	_ =	shalt  }
0x5a: {  	_ =	shalt  }
0x5b: {  	_ =	shalt  }
0x5c: {  	_ =	shalt  }
0x5d: {  	_ =	shalt  }
0x5e: {  	_ =	shalt  }
0x5f: {  	_ =	shalt  }
0x60: {  	_ =	shalt  }
0x61: {  	_ =	shalt  }
0x62: {  	_ =	shalt  }
0x63: {  	_ =	shalt  }
0x64: {  	_ =	shalt  }
0x65: {  	_ =	shalt  }
0x66: {  	_ =	shalt  }
0x67: {  	_ =	shalt  }
0x68: {  	_ =	shalt  }
0x69: {  	_ =	shalt  }
0x6a: {  	_ =	shalt  }
0x6b: {  	_ =	shalt  }
0x6c: {  	_ =	shalt  }
0x6d: {  	_ =	shalt  }
0x6e: {  	_ =	shalt  }
0x6f: {  	_ =	shalt  }
0x70: {  	_ =	shalt  }
0x71: {  	_ =	shalt  }
0x72: {  	_ =	shalt  }
0x73: {  	_ =	shalt  }
0x74: {  	_ =	shalt  }
0x75: {  	_ =	shalt  }
0x76: {  	_ =	shalt  }
0x77: {  	_ =	shalt  }
0x78: {  	_ =	shalt  }
0x79: {  	_ =	shalt  }
0x7a: {  	_ =	shalt  }
0x7b: {  	_ =	shalt  }
0x7c: {  	_ =	shalt  }
0x7d: {  	_ =	shalt  }
0x7e: {  	_ =	shalt  }
0x7f: {  	_ =	shalt  }
0x80: {  	_ =	shalt  }
0x81: {  	_ =	shalt  }
0x82: {  	_ =	shalt  }
0x83: {  	_ =	shalt  }
0x84: {  	_ =	shalt  }
0x85: {  	_ =	shalt  }
0x86: {  	_ =	shalt  }
0x87: {  	_ =	shalt  }
.Lfunc_end0:
.L_simem_size_0:
called_computation.1_lowered:
.L_overlay_start_0:
0x88: {  	s2 =	sld [smem:$0x3FD9]  }
0x89: {  	s3 =	sld [smem:$0x3FFE];
	_ =	sdelay $0x1  }
0x8a: {  	s1 =	srdreg.scid  }
0x8b: {  	s0 =	sand.u32 $0x1, s1  }
0x8c: {  	s17 =	sshll.u32 s0, $0xA;
	s2 =	sadd.s32 s3, s2  }
0x8d: {  	s2 =	sadd.s32 s2, s17  }
0x8e: {  	[smem:$0x3FBA] =	sst s2  }
0x8f: {  	_ = 	snop  }
0x90: {  	s18 =	sld [smem:$0x3FC8];
	(tm) =	ssettm $0x1  }
0x91: {  	s19 =	sld [smem:$0x3FFB];
	_ =	sdelay $0x3  }
0x92: {  	_ =	strace s19  }
0x93: {  	s2 =	sld [smem:$0x3FFC];
	_ =	sdelay $0x3  }
0x94: {  	_ =	strace s2  }
0x95: {  	s2 =	sld [smem:$0x3FFD];
	_ =	sdelay $0x3  }
0x96: {  	_ =	strace s2  }
0x97: {  	_ =	strace $0x8FFFFFFF  }
0x98: {  	s20 =	sld [smem:$0x3FDB];
	_ =	sdelay $0x1  }
0x99: {  	s4 =	simm.s32 $_scs_section_size  }
0x9a: {  	s5 =	simm.s32 $_size__tile_overlayer_lowered;
	s6 =	simm.s32 $_tile_overlayer_lowered  }
0x9b: {  	s7 =	simm.s32 $0x1BFF;
	s21 =	sshll.u32 s6, $0x1;
	s4 =	sadd.s32 s4, s20  }
0x9c: {  	s22 =	simm.s32 $0x0;
	s5 =	sshll.u32 s5, $0x1;
	s6 =	sadd.s32 s21, s4  }
0x9d: {  	[timem:s22], [sflag:s7] =	dma.local [hbm:s6], s5  }
0x9e: {  	_ =	swait.ge [sflag:s7], s5  }
0x9f: {  	s5 =	ssub.s32 $0x0, s5;
	[sflag:s7] =	ssyncset.done $0x0  }
0xa0: {  	[sflag:s7] =	ssyncadd.s32 s5;
	_ =	sdelay $0x1  }
0xa1: {  	s23 =	simm.s32 $0x1B8B  }
0xa2: {  	_ =	swait.ge [sflag:s23], $0x1  }
0xa3: {  	[sflag:s23] =	ssyncset.done $0x0  }
0xa4: {  	[sflag:s23] =	ssyncadd.s32 $0xFFFFFFFF  }
0xa5: {  	s5 =	sld [smem:$0x0]  }
0xa6: {  	s6 =	sand.u32 $0xFFFFFFFE, s1  }
0xa7: {  	p0 =	sne.s32 s1, s6  }
0xa8: {  	s6 =	sshll.u32 @p0 s6, $0xE  }
0xa9: {  	s6 =	sadd.s32 @p0 $0x11B8D, s6;
	s7 =	sshll.u32 @p0 s5, $0x11  }
0xaa: {  	s6 =	sor.u32 @p0 s7, s6  }
0xab: {  	[sflag:s6] =	ssyncadd.remote.s32 @p0 $0x1;
	_ =	sdelay $0x1  }
0xac: {  	s6 =	simm.s32 @p0 $0x1B8D  }
0xad: {  	_ =	swait.eq @p0 [sflag:s6], $0x1  }
0xae: {  	[sflag:s6] =	ssyncadd.s32 @p0 $0xFFFFFFFF  }
0xaf: {  	s7 =	sshll.u32 @!p0 s1, $0xE  }
0xb0: {  	s7 =	sor.u32 @!p0 $0x4000, s7;
	s6 =	simm.s32 @!p0 $0x1B8D  }
0xb1: {  	s5 =	sshll.u32 @!p0 s5, $0x11;
	s7 =	sadd.s32 @!p0 $0x11B8D, s7;
	_ =	swait.eq @!p0 [sflag:s6], $0x1  }
0xb2: {  	s5 =	sor.u32 @!p0 s5, s7;
	[sflag:s6] =	ssyncadd.s32 @!p0 $0xFFFFFFFF  }
0xb3: {  	s25 =	simm.s32 $0x1B8E;
	s24 =	sld [smem:$0x3FFE];
	[sflag:s5] =	ssyncadd.remote.s32 @!p0 $0x1  }
0xb4: {  	s26 =	simm.s32 $execute0_lowered;
	[smem:$0x3FD2] =	sst s25  }
0xb5: {  	s6 =	sshll.u32 s26, $0x1;
	_ =	strace $0x80000049;
	[dreg:$0x1] =	wrdreg $0xFFFFFFFF  }
0xb6: {  	s28 =	simm.s32 $_size_execute0_lowered;
	s4 =	sadd.s32 s4, s6;
	[dreg:$0x0] =	wrdreg $0x0  }
0xb7: {  	s6 =	sshll.u32 s28, $0x1;
	[dreg:$0x2] =	wrdreg s4  }
0xb8: {  	[dreg:$0x3] =	wrdreg s6  }
0xb9: {  	[dreg:$0x4] =	wrdreg $0xC0  }
0xba: {  	_ =	task [dreg:s22], $0x5FFFF  }
0xbb: {  	[dreg:$0x1] =	wrdreg $0xFFFFFFFF  }
0xbc: {  	[dreg:$0x0] =	wrdreg $0x60  }
0xbd: {  	[dreg:$0x2] =	wrdreg s18  }
0xbe: {  	[dreg:$0x3] =	wrdreg s24  }
0xbf: {  	[dreg:$0x4] =	wrdreg $0xA  }
0xc0: {  	_ =	task.clear_ibuf [dreg:s22], $0x5FFFF;
	_ =	strace $0x90000049  }
0xc1: {  	s29 =	simm.s32 $0xA;
	_ =	strace $0x8000004B  }
0xc2: {  	_ =	swait.ge [sflag:s29], $0x1  }
0xc3: {  	[sflag:s29] =	ssyncadd.s32 $0xFFFFFFFF  }
0xc4: {  	_ =	strace $0x9000004B  }
0xc5: {  	_ =	sfence  }
0xc6: {  	s30 =	sld [smem:$0x0];
	_ =	sdelay $0x2  }
0xc7: {  	s31 =	sshll.u32 s1, $0xD;
	s1 =	sshrl.u32 s1, $0x2  }
0xc8: {  	s4 =	sand.u32 $0x4000, s31;
	s1 =	sadd.s32 s1, s30  }
0xc9: {  	s0 =	sor.u32 s4, s0;
	s1 =	sshll.u32 s1, $0x11  }
0xca: {  	s0 =	sor.u32 s1, s0  }
0xcb: {  	s0 =	sadd.s32 $0x8F2B, s0  }
0xcc: {  	[sflag:s0] =	ssyncadd.remote.s32 $0x1  }
0xcd: {  	_ =	sfence.sel $0xFFFF  }
0xce: {  	[dreg:$0x0] =	wrdreg $0xFFFFFFFF;
	(pc) =	sbr.abs _section_cstart, $3  }
0xcf: {  	[dreg:$0x1] =	wrdreg $0xFFFFFFFF  }
0xd0: {  	_ =	task.clear_ibuf [dreg:s22], $0x2FFFF;
	_ =	strace $0x9FFFFFFF  }
0xd1: {  	(tm) =	ssettm $0x7FFFFFFF  }
tec
execute0_lowered:
.L_overlay_start_1:
0x0: {  	(tag) =	ssettag $0x1  }
0x1: {  	s3 =	rddreg [dreg:$0x0]  }
0x2: {  	s10 =	rddreg [dreg:$0x1];
	s1 =	srdreg.scid  }
0x3: {  	s0 =	rddreg [dreg:$0x2];
	s16 =	sand.u32 $0x1, s1  }
0x4: {  	s2 =	simm.s32 $0x0;
	s1 =	stileid.u32;
	s4 =	sshll.u32 s16, $0x6  }
0x5: {  	[smem:$0x7FF] =	sst s2;
	s5 =	sshll.u32 s1, $0x7;
	s3 =	sadd.s32 s3, s4  }
0x6: {  	_ =	strace $0x8000004A;
	s4 =	simm.s32 $0x3;
	s3 =	sadd.s32 s5, s3  }
0x7: {  	[tilespmem:s2], [sflag:$0x3] =	stream.linear.gather [hbm4b:s3+s2], $0x200, $0x38;
	[tilespmem:$0x8200] =	vst v63  }
0x8: {  	_ =	swait.ge [sflag:s4], $0x200  }
0x9: {  	s6 =	simm.s32 $0x80;
	s7 =	simm.s32 $0x200;
	[sflag:s4] =	ssyncset.done $0x0  }
0xa: {  	s8 =	simm.s32 $0x4200;
	s5 =	sadd.s32 $0x61F600, s10;
	[sflag:s4] =	ssyncadd.s32 $0xFFFFFE00  }
0xb: {  	[tilespmem:s7], [sflag:$0x1] =	stream.indirect.gather [hbm4b:s5+s6], $0x80, s2, s6, $0xb8;
	[tilespmem:$0x8200] =	vst v63  }
0xc: {  	s9 =	simm.s32 $0x1;
	s11 =	sshll.u32 s1, $0xE;
	s12 =	sshll.u32 s16, $0xD  }
0xd: {  	[tilespmem:s8], [sflag:$0x1] =	stream.indirect.gather [hbm4b:s5+s6], $0x80, s6, s6, $0xb8;
	[tilespmem:$0x8200] =	vst v63  }
0xe: {  	s11 =	sor.u32 s12, s11;
	_ =	swait.ge [sflag:s9], $0x4000  }
0xf: {  	s17 =	sadd.s32 s11, s10;
	[sflag:s9] =	ssyncset.done $0x0  }
0x10: {  	s10 =	simm.s32 $0x2;
	s11 =	sadd.s32 $0x498C00, s17;
	[sflag:s9] =	ssyncadd.s32 $0xFFFFC000  }
0x11: {  	[hbm4b:s11+s2] =	stream.linear.scatter [tilespmem:s7], [sflag:$0x2], $0x4000, $0x38;
	[tilespmem:$0x8200] =	vst v63  }
0x12: {  	_ =	swait.ge [sflag:s10], $0x4000  }
0x13: {  	[sflag:s10] =	ssyncset.done $0x0  }
0x14: {  	s12 =	simm.s32 $0x100;
	[sflag:s10] =	ssyncadd.s32 $0xFFFFC000  }
0x15: {  	[tilespmem:s7], [sflag:$0x1] =	stream.indirect.gather [hbm4b:s5+s6], $0x80, s12, s6, $0xb8;
	[tilespmem:$0x8200] =	vst v63  }
0x16: {  	_ =	swait.ge [sflag:s9], $0x4000  }
0x17: {  	[sflag:s9] =	ssyncset.done $0x0  }
0x18: {  	s13 =	sadd.s32 $0x499400, s17;
	[sflag:s9] =	ssyncadd.s32 $0xFFFFC000  }
0x19: {  	[hbm4b:s13+s2] =	stream.linear.scatter [tilespmem:s8], [sflag:$0x2], $0x4000, $0x38;
	[tilespmem:$0x8200] =	vst v63  }
0x1a: {  	_ =	swait.ge [sflag:s10], $0x4000  }
0x1b: {  	[sflag:s10] =	ssyncset.done $0x0  }
0x1c: {  	s14 =	simm.s32 $0x180;
	[sflag:s10] =	ssyncadd.s32 $0xFFFFC000  }
0x1d: {  	[tilespmem:s8], [sflag:$0x1] =	stream.indirect.gather [hbm4b:s5+s6], $0x80, s14, s6, $0xb8;
	[tilespmem:$0x8200] =	vst v63  }
0x1e: {  	_ =	swait.ge [sflag:s9], $0x4000  }
0x1f: {  	s18 =	ssub.s32 $0x2, s16;
	[sflag:s9] =	ssyncset.done $0x0  }
0x20: {  	s31 =	sshrl.u32 s18, $0x1;
	s15 =	sadd.s32 $0x499C00, s17;
	[sflag:s9] =	ssyncadd.s32 $0xFFFFC000  }
0x21: {  	[hbm4b:s15+s2] =	stream.linear.scatter [tilespmem:s7], [sflag:$0x2], $0x4000, $0x38;
	[tilespmem:$0x8200] =	vst v63  }
0x22: {  	s16 =	sadd.s32 $0x49A400, s17;
	s17 =	ssub.s32 s18, s31;
	_ =	swait.ge [sflag:s9], $0x4000  }
0x23: {  	s17 =	smax.u32 s17, $0x1;
	[sflag:s9] =	ssyncset.done $0x0  }
0x24: {  	p0 =	sne.s32 s17, $0x1;
	[sflag:s9] =	ssyncadd.s32 $0xFFFFC000  }
0x25: {  	[hbm4b:s16+s2] =	stream.linear.scatter [tilespmem:s8], [sflag:$0x2], $0x4000, $0x38;
	[tilespmem:$0x8200] =	vst v63  }
.Ltmp0:
0x26: {  	_ =	swait.ge [sflag:s10], $0x4000;
	(pc) =	sbr.rel @!p0 .LBB2_2-.Ltmp0, $4  }
0x27: {  	[sflag:s10] =	ssyncset.done $0x0  }
0x28: {  	[sflag:s10] =	ssyncadd.s32 $0xFFFFC000  }
0x29: {  	_ =	swait.ge [sflag:s10], $0x4000  }
0x2a: {  	s17 =	sadd.s32 $0xFFFFFFFF, s17;
	[sflag:s10] =	ssyncset.done $0x0  }
.LBB2_1:
0x2b: {  	p0 =	sne.s32 s17, $0x1;
	s17 =	sadd.s32 $0xFFFFFFFF, s17;
	[sflag:s10] =	ssyncadd.s32 $0xFFFFC000  }
0x2c: {  	[tilespmem:s2], [sflag:$0x3] =	stream.linear.gather [hbm4b:s3+s2], $0x200, $0x38;
	[tilespmem:$0x8200] =	vst v63  }
0x2d: {  	_ =	swait.ge [sflag:s4], $0x200  }
0x2e: {  	[sflag:s4] =	ssyncset.done $0x0  }
0x2f: {  	[sflag:s4] =	ssyncadd.s32 $0xFFFFFE00  }
0x30: {  	[tilespmem:s7], [sflag:$0x1] =	stream.indirect.gather [hbm4b:s5+s6], $0x80, s2, s6, $0xb8;
	[tilespmem:$0x8200] =	vst v63  }
0x31: {  	_ = 	snop  }
0x32: {  	[tilespmem:s8], [sflag:$0x1] =	stream.indirect.gather [hbm4b:s5+s6], $0x80, s6, s6, $0xb8;
	[tilespmem:$0x8200] =	vst v63  }
0x33: {  	_ =	swait.ge [sflag:s9], $0x4000  }
0x34: {  	[sflag:s9] =	ssyncset.done $0x0  }
0x35: {  	[sflag:s9] =	ssyncadd.s32 $0xFFFFC000  }
0x36: {  	[hbm4b:s11+s2] =	stream.linear.scatter [tilespmem:s7], [sflag:$0x2], $0x4000, $0x38;
	[tilespmem:$0x8200] =	vst v63  }
0x37: {  	_ =	swait.ge [sflag:s10], $0x4000  }
0x38: {  	[sflag:s10] =	ssyncset.done $0x0  }
0x39: {  	[sflag:s10] =	ssyncadd.s32 $0xFFFFC000  }
0x3a: {  	[tilespmem:s7], [sflag:$0x1] =	stream.indirect.gather [hbm4b:s5+s6], $0x80, s12, s6, $0xb8;
	[tilespmem:$0x8200] =	vst v63  }
0x3b: {  	_ =	swait.ge [sflag:s9], $0x4000  }
0x3c: {  	[sflag:s9] =	ssyncset.done $0x0  }
0x3d: {  	[sflag:s9] =	ssyncadd.s32 $0xFFFFC000  }
0x3e: {  	[hbm4b:s13+s2] =	stream.linear.scatter [tilespmem:s8], [sflag:$0x2], $0x4000, $0x38;
	[tilespmem:$0x8200] =	vst v63  }
0x3f: {  	_ =	swait.ge [sflag:s10], $0x4000  }
0x40: {  	[sflag:s10] =	ssyncset.done $0x0  }
0x41: {  	[sflag:s10] =	ssyncadd.s32 $0xFFFFC000  }
0x42: {  	[tilespmem:s8], [sflag:$0x1] =	stream.indirect.gather [hbm4b:s5+s6], $0x80, s14, s6, $0xb8;
	[tilespmem:$0x8200] =	vst v63  }
0x43: {  	_ =	swait.ge [sflag:s9], $0x4000  }
0x44: {  	[sflag:s9] =	ssyncset.done $0x0  }
0x45: {  	[sflag:s9] =	ssyncadd.s32 $0xFFFFC000  }
0x46: {  	[hbm4b:s15+s2] =	stream.linear.scatter [tilespmem:s7], [sflag:$0x2], $0x4000, $0x38;
	[tilespmem:$0x8200] =	vst v63  }
0x47: {  	_ =	swait.ge [sflag:s9], $0x4000  }
0x48: {  	[sflag:s9] =	ssyncset.done $0x0  }
0x49: {  	[sflag:s9] =	ssyncadd.s32 $0xFFFFC000  }
0x4a: {  	[hbm4b:s16+s2] =	stream.linear.scatter [tilespmem:s8], [sflag:$0x2], $0x4000, $0x38;
	[tilespmem:$0x8200] =	vst v63  }
.Ltmp1:
0x4b: {  	_ =	swait.ge [sflag:s10], $0x4000;
	(pc) =	sbr.rel @p0 .LBB2_1-.Ltmp1, $4  }
0x4c: {  	[sflag:s10] =	ssyncset.done $0x0  }
0x4d: {  	[sflag:s10] =	ssyncadd.s32 $0xFFFFC000  }
0x4e: {  	_ =	swait.ge [sflag:s10], $0x4000  }
0x4f: {  	[sflag:s10] =	ssyncset.done $0x0  }
.LBB2_2:
0x50: {  	[sflag:s10] =	ssyncadd.s32 $0xFFFFC000  }
0x51: {  	_ =	sfence.sel $0x180000  }
0x52: {  	[bflag:$0x0] =	sbarrier.arrive $0xFFFF  }
0x53: {  	p0 =	sne.s32 s1, $0x0;
	_ =	strace $0x9000004A  }
0x54: {  	s0 =	sadd.s32 @!p0 $0x100000, s0;
	[bflag:$0x2] =	sbarrier.arrive $0xFFFF  }
0x55: {  	[sflag:s0] =	ssyncadd.tile.s32 @!p0 $0x1;
	_ =	shalt  }
.Lfunc_end2:
_tile_overlayer_lowered:
.L_overlay_start_2:
0x56: {  	(tag) =	ssettag $0x2  }
0x57: {  	s0 =	rddreg [dreg:$0x0];
	s2 =	stileid.u32  }
0x58: {  	s1 =	rddreg [dreg:$0x1];
	p0 =	sne.s32 s2, $0x0  }
0x59: {  	s3 =	rddreg [dreg:$0x2];
	[bflag:$0x3] =	sbarrier.arrive $0xFFFF;
	s2 =	simm.s32 @!p0 $0x1C03  }
0x5a: {  	[timem:s3], [sflag:s2] =	dma.local @!p0 [hbm:s0], s1  }
0x5b: {  	s0 =	simm.s32 @!p0 $0x3  }
0x5c: {  	_ =	swait.ge @!p0 [sflag:s0], s1  }
0x5d: {  	s1 =	ssub.s32 @!p0 $0x0, s1;
	[sflag:s0] =	ssyncset.done @!p0 $0x0  }
0x5e: {  	[sflag:s0] =	ssyncadd.s32 @!p0 s1  }
0x5f: {  	[bflag:$0x3] =	sbarrier.arrive $0xFFFF  }
0x60: {  	_ =	shalt  }

</sc_bundles>
